<compile_context>
chip_gen: v7x
topology: tpu7x:2x2x1
jax: 0.10.2.dev20260603
libtpu: 0.0.44.dev20260713+nightly
codegen_flags: <defaults>
</compile_context>

<pallas_src>
import math

import jax
import jax.numpy as jnp
from jax import lax
from jax.experimental import pallas as pl
from jax.experimental.pallas import tpu as pltpu
from jax.experimental.pallas import tpu_sc as plsc

_VOC = 100000
_D = 128
_SCALE = math.sqrt(_D)

_NC, _NS = 2, 16
_NW = _NC * _NS
_B = 1024 * 200
_BPW = _B // _NW
_CHUNK = 128
_NCHUNK = _BPW // _CHUNK
_NBUF = 5
_DIST = 3
_NROUND = _NCHUNK // _NBUF


def _gather_scale(x_hbm, table_hbm, out_hbm, idx_v, bufs, gsems, ssems):
    wid = lax.axis_index("s") * _NC + lax.axis_index("c")
    base = wid * _BPW
    pltpu.sync_copy(x_hbm.at[pl.ds(base, _BPW)], idx_v)

    def issue_gather(j, b):
        pltpu.async_copy(
            table_hbm.at[idx_v.at[pl.ds(j * _CHUNK, _CHUNK)]],
            bufs[b], gsems[b])

    def wait_gather(b):
        pltpu.make_async_copy(
            table_hbm.at[pl.ds(0, _CHUNK)], bufs[b], gsems[b]).wait()

    def wait_scatter(b):
        pltpu.make_async_copy(
            bufs[b], out_hbm.at[pl.ds(base, _CHUNK)], ssems[b]).wait()

    for b in range(_DIST):
        issue_gather(b, b)

    @pl.loop(0, _NROUND)
    def _round(g):
        for b in range(_NBUF):
            i = g * _NBUF + b
            nx = i + _DIST
            bn = (b + _DIST) % _NBUF

            @pl.when(nx < _NCHUNK)
            def _():
                @pl.when(nx >= _NBUF)
                def _():
                    wait_scatter(bn)
                issue_gather(nx, bn)

            wait_gather(b)

            @plsc.parallel_loop(0, _CHUNK, unroll=4)
            def _row(r):
                for k in range(_D // 16):
                    sl = pl.ds(k * 16, 16)
                    bufs[b][r, sl] = bufs[b][r, sl] * _SCALE

            pltpu.async_copy(
                bufs[b], out_hbm.at[pl.ds(base + i * _CHUNK, _CHUNK)],
                ssems[b])

    for b in range(_NBUF):
        wait_scatter(b)


def _body(x_hbm, table_hbm, out_hbm, idx_v,
          b0, b1, b2, b3, b4, g0, g1, g2, g3, g4, s0, s1, s2, s3, s4):
    _gather_scale(x_hbm, table_hbm, out_hbm, idx_v,
                  (b0, b1, b2, b3, b4),
                  (g0, g1, g2, g3, g4),
                  (s0, s1, s2, s3, s4))


@jax.jit
def _voc_embed(x_flat, table):
    mesh = plsc.VectorSubcoreMesh(core_axis_name="c", subcore_axis_name="s")
    return pl.kernel(
        _body,
        out_type=jax.ShapeDtypeStruct((_B, _D), jnp.float32),
        mesh=mesh,
        scratch_types=(
            [pltpu.VMEM((_BPW,), jnp.int32)]
            + [pltpu.VMEM((_CHUNK, _D), jnp.float32)] * _NBUF
            + [pltpu.SemaphoreType.DMA] * (2 * _NBUF)
        ),
    )(x_flat, table)


def kernel(x, table):
    x_flat = x.reshape(-1).astype(jnp.int32)
    out = _voc_embed(x_flat, table)
    return out.reshape(x.shape + (_D,))

# --- scband reference (transcript-rebuilt; emitter-appended) ---
"""Pipeline reference for scband-voc-embedding-22677427323403 (READ-ONLY COPY).

The authoritative reference and input builder live on the scoring server;
editing this copy changes nothing except your own understanding.
"""

import math
import jax, jax.numpy as jnp
import numpy as np

VOC_SIZE = 100000
DIM = 128

def setup_inputs(seed: int = 0) -> dict:
    key = jax.random.key(seed)
    k1, k2 = jax.random.split(key)
    x = jax.random.randint(k1, (1024, 200), 0, VOC_SIZE, dtype=jnp.int64 if jax.config.jax_enable_x64 else jnp.int32)
    # nn.Embedding default init: N(0, 1)
    table = jax.random.normal(k2, (VOC_SIZE, DIM), dtype=jnp.float32)
    return {"x": x, "table": table}

def reference(x, table):
    coe = math.sqrt(DIM)
    emb = jnp.take(table, x, axis=0)
    return emb * coe

if __name__ == "__main__":
    import jax
    _d = setup_inputs()
    print(jax.jit(kernel)(*tuple(_d.values())))

</pallas_src>

<mosaic_0001>
#map = affine_map<(d0, d1) -> (0)>
#map1 = affine_map<(d0, d1) -> (0, 0)>
module attributes {stable_mosaic.version = 14 : i64} {
  func.func @_body(%arg0: i32, %arg1: i32, %arg2: memref<204800xi32, #tpu.memory_space<hbm>>, %arg3: memref<100000x128xf32, #tpu.memory_space<hbm>>, %arg4: memref<204800x128xf32, #tpu.memory_space<hbm>>, %arg5: memref<6400xi32, #tpu.memory_space<vmem>>, %arg6: memref<128x128xf32, #tpu.memory_space<vmem>>, %arg7: memref<128x128xf32, #tpu.memory_space<vmem>>, %arg8: memref<128x128xf32, #tpu.memory_space<vmem>>, %arg9: memref<128x128xf32, #tpu.memory_space<vmem>>, %arg10: memref<128x128xf32, #tpu.memory_space<vmem>>, %arg11: memref<!tpu.dma_semaphore, #tpu.memory_space<semaphore_mem>>, %arg12: memref<!tpu.dma_semaphore, #tpu.memory_space<semaphore_mem>>, %arg13: memref<!tpu.dma_semaphore, #tpu.memory_space<semaphore_mem>>, %arg14: memref<!tpu.dma_semaphore, #tpu.memory_space<semaphore_mem>>, %arg15: memref<!tpu.dma_semaphore, #tpu.memory_space<semaphore_mem>>, %arg16: memref<!tpu.dma_semaphore, #tpu.memory_space<semaphore_mem>>, %arg17: memref<!tpu.dma_semaphore, #tpu.memory_space<semaphore_mem>>, %arg18: memref<!tpu.dma_semaphore, #tpu.memory_space<semaphore_mem>>, %arg19: memref<!tpu.dma_semaphore, #tpu.memory_space<semaphore_mem>>, %arg20: memref<!tpu.dma_semaphore, #tpu.memory_space<semaphore_mem>>) attributes {dimension_semantics = [#tpu.dimension_semantics<core_parallel>, #tpu.dimension_semantics<subcore_parallel>], iteration_bounds = array<i64: 2, 16>, scalar_prefetch = 0 : i64, scratch_operands = 16 : i64, tpu.core_type = #tpu.core_type<sc_vector_subcore>, window_params = [{transform_indices = #map}, {transform_indices = #map1}, {transform_indices = #map1}]} {
    %mul3A = arith.constant 2 : i32
    %mul3A_0 = arith.muli %arg1, %mul3A : i32
    %add3A = arith.addi %mul3A_0, %arg0 : i32
    %mul3A_1 = arith.constant 6400 : i32
    %mul3A_2 = arith.muli %add3A, %mul3A_1 : i32
    "tpu.region"() ({
      %run_scoped3A = tpu.sem_alloc : memref<!tpu.dma_semaphore, #tpu.memory_space<semaphore_mem>>
      %dma_start3A_40 = tpu.memref_slice %arg2[%mul3A_2] : memref<204800xi32, #tpu.memory_space<hbm>> -> memref<6400xi32, #tpu.memory_space<hbm>>
      %dma_start3A_41 = tpu.memref_slice %arg2[%mul3A_2] : memref<204800xi32, #tpu.memory_space<hbm>> -> memref<6400xi32, #tpu.memory_space<hbm>>
      tpu.enqueue_dma source(%dma_start3A_41 : memref<6400xi32, #tpu.memory_space<hbm>>) target(%arg5 : memref<6400xi32, #tpu.memory_space<vmem>>) target_semaphore(%run_scoped3A : memref<!tpu.dma_semaphore, #tpu.memory_space<semaphore_mem>>)
      %dma_wait3A_42 = tpu.memref_slice %arg2[%mul3A_2] : memref<204800xi32, #tpu.memory_space<hbm>> -> memref<6400xi32, #tpu.memory_space<hbm>>
      %dma_wait3A_43 = tpu.memref_slice %arg2[%mul3A_2] : memref<204800xi32, #tpu.memory_space<hbm>> -> memref<6400xi32, #tpu.memory_space<hbm>>
      tpu.wait_dma2 semaphore(%run_scoped3A : memref<!tpu.dma_semaphore, #tpu.memory_space<semaphore_mem>>) src(%dma_wait3A_43 : memref<6400xi32, #tpu.memory_space<hbm>>) dst(%arg5 : memref<6400xi32, #tpu.memory_space<vmem>>)
      tpu.yield
    }) : () -> ()
    %dma_start3A = arith.constant 0 : i32
    %dma_start3A_3 = tpu.memref_slice %arg5[%dma_start3A] : memref<6400xi32, #tpu.memory_space<vmem>> -> memref<128xi32, #tpu.memory_space<vmem>>
    %dma_start3A_4 = arith.constant 0 : i32
    %dma_start3A_5 = arith.constant 0 : i32
    %dma_start3A_6 = tpu.memref_slice %arg3[%dma_start3A_4, %dma_start3A_5] : memref<100000x128xf32, #tpu.memory_space<hbm>> -> memref<100000x128xf32, #tpu.memory_space<hbm>>
    tpu.enqueue_indirect_dma source(%dma_start3A_6 : memref<100000x128xf32, #tpu.memory_space<hbm>>) target(%arg6 : memref<128x128xf32, #tpu.memory_space<vmem>>) offsets(%dma_start3A_3 : memref<128xi32, #tpu.memory_space<vmem>>) semaphore(%arg11 : memref<!tpu.dma_semaphore, #tpu.memory_space<semaphore_mem>>)
    %dma_start3A_7 = arith.constant 128 : i32
    %dma_start3A_8 = tpu.memref_slice %arg5[%dma_start3A_7] : memref<6400xi32, #tpu.memory_space<vmem>> -> memref<128xi32, #tpu.memory_space<vmem>>
    %dma_start3A_9 = arith.constant 0 : i32
    %dma_start3A_10 = arith.constant 0 : i32
    %dma_start3A_11 = tpu.memref_slice %arg3[%dma_start3A_9, %dma_start3A_10] : memref<100000x128xf32, #tpu.memory_space<hbm>> -> memref<100000x128xf32, #tpu.memory_space<hbm>>
    tpu.enqueue_indirect_dma source(%dma_start3A_11 : memref<100000x128xf32, #tpu.memory_space<hbm>>) target(%arg7 : memref<128x128xf32, #tpu.memory_space<vmem>>) offsets(%dma_start3A_8 : memref<128xi32, #tpu.memory_space<vmem>>) semaphore(%arg12 : memref<!tpu.dma_semaphore, #tpu.memory_space<semaphore_mem>>)
    %dma_start3A_12 = arith.constant 256 : i32
    %dma_start3A_13 = tpu.memref_slice %arg5[%dma_start3A_12] : memref<6400xi32, #tpu.memory_space<vmem>> -> memref<128xi32, #tpu.memory_space<vmem>>
    %dma_start3A_14 = arith.constant 0 : i32
    %dma_start3A_15 = arith.constant 0 : i32
    %dma_start3A_16 = tpu.memref_slice %arg3[%dma_start3A_14, %dma_start3A_15] : memref<100000x128xf32, #tpu.memory_space<hbm>> -> memref<100000x128xf32, #tpu.memory_space<hbm>>
    tpu.enqueue_indirect_dma source(%dma_start3A_16 : memref<100000x128xf32, #tpu.memory_space<hbm>>) target(%arg8 : memref<128x128xf32, #tpu.memory_space<vmem>>) offsets(%dma_start3A_13 : memref<128xi32, #tpu.memory_space<vmem>>) semaphore(%arg13 : memref<!tpu.dma_semaphore, #tpu.memory_space<semaphore_mem>>)
    %scan3A = arith.constant 0 : i32
    %scan3A_17 = arith.constant 10 : i32
    %scan3A_18 = arith.addi %scan3A, %scan3A_17 : i32
    %scan3A_19 = arith.constant 1 : i32
    scf.for %scan3A_40 = %scan3A to %scan3A_18 step %scan3A_19  : i32 {
      %mul3A_41 = arith.constant 1 : i32
      %mul3A_42 = arith.muli %scan3A_40, %mul3A_41 : i32
      %add3A_43 = arith.constant 0 : i32
      %add3A_44 = arith.addi %add3A_43, %mul3A_42 : i32
      %mul3A_45 = arith.constant 5 : i32
      %mul3A_46 = arith.muli %add3A_44, %mul3A_45 : i32
      %add3A_47 = arith.constant 0 : i32
      %add3A_48 = arith.addi %mul3A_46, %add3A_47 : i32
      %add3A_49 = arith.constant 3 : i32
      %add3A_50 = arith.addi %add3A_48, %add3A_49 : i32
      %lt3A = arith.constant 50 : i32
      %lt3A_51 = arith.cmpi slt, %add3A_50, %lt3A : i32
      %convert_element_type3A = arith.extui %lt3A_51 : i1 to i32
      %cond3A = arith.constant 0 : i32
      %cond3A_52 = arith.cmpi ne, %convert_element_type3A, %cond3A : i32
      scf.if %cond3A_52 {
        %ge3A = arith.constant 5 : i32
        %ge3A_176 = arith.cmpi sge, %add3A_50, %ge3A : i32
        %convert_element_type3A_177 = arith.extui %ge3A_176 : i1 to i32
        %cond3A_178 = arith.constant 0 : i32
        %cond3A_179 = arith.cmpi ne, %convert_element_type3A_177, %cond3A_178 : i32
        scf.if %cond3A_179 {
          %dma_wait3A_186 = arith.constant 0 : i32
          %dma_wait3A_187 = tpu.memref_slice %arg4[%mul3A_2, %dma_wait3A_186] : memref<204800x128xf32, #tpu.memory_space<hbm>> -> memref<128x128xf32, #tpu.memory_space<hbm>>
          %dma_wait3A_188 = arith.constant 0 : i32
          %dma_wait3A_189 = tpu.memref_slice %arg4[%mul3A_2, %dma_wait3A_188] : memref<204800x128xf32, #tpu.memory_space<hbm>> -> memref<128x128xf32, #tpu.memory_space<hbm>>
          tpu.wait_dma2 semaphore(%arg19 : memref<!tpu.dma_semaphore, #tpu.memory_space<semaphore_mem>>) src(%arg9 : memref<128x128xf32, #tpu.memory_space<vmem>>) dst(%dma_wait3A_189 : memref<128x128xf32, #tpu.memory_space<hbm>>)
        } else {
        }
        %mul3A_180 = arith.constant 128 : i32
        %mul3A_181 = arith.muli %add3A_50, %mul3A_180 : i32
        %dma_start3A_182 = tpu.memref_slice %arg5[%mul3A_181] : memref<6400xi32, #tpu.memory_space<vmem>> -> memref<128xi32, #tpu.memory_space<vmem>>
        %dma_start3A_183 = arith.constant 0 : i32
        %dma_start3A_184 = arith.constant 0 : i32
        %dma_start3A_185 = tpu.memref_slice %arg3[%dma_start3A_183, %dma_start3A_184] : memref<100000x128xf32, #tpu.memory_space<hbm>> -> memref<100000x128xf32, #tpu.memory_space<hbm>>
        tpu.enqueue_indirect_dma source(%dma_start3A_185 : memref<100000x128xf32, #tpu.memory_space<hbm>>) target(%arg9 : memref<128x128xf32, #tpu.memory_space<vmem>>) offsets(%dma_start3A_182 : memref<128xi32, #tpu.memory_space<vmem>>) semaphore(%arg14 : memref<!tpu.dma_semaphore, #tpu.memory_space<semaphore_mem>>)
      } else {
      }
      %dma_wait3A_53 = arith.constant 0 : i32
      %dma_wait3A_54 = arith.constant 0 : i32
      %dma_wait3A_55 = tpu.memref_slice %arg3[%dma_wait3A_53, %dma_wait3A_54] : memref<100000x128xf32, #tpu.memory_space<hbm>> -> memref<128x128xf32, #tpu.memory_space<hbm>>
      %dma_wait3A_56 = arith.constant 0 : i32
      %dma_wait3A_57 = arith.constant 0 : i32
      %dma_wait3A_58 = tpu.memref_slice %arg3[%dma_wait3A_56, %dma_wait3A_57] : memref<100000x128xf32, #tpu.memory_space<hbm>> -> memref<128x128xf32, #tpu.memory_space<hbm>>
      tpu.wait_dma2 semaphore(%arg11 : memref<!tpu.dma_semaphore, #tpu.memory_space<semaphore_mem>>) src(%dma_wait3A_58 : memref<128x128xf32, #tpu.memory_space<hbm>>) dst(%arg6 : memref<128x128xf32, #tpu.memory_space<vmem>>)
      %parallel_loop3A = arith.constant 0 : i32
      %parallel_loop3A_59 = arith.constant 128 : i32
      %parallel_loop3A_60 = arith.constant 1 : i32
      scf.for %parallel_loop3A_176 = %parallel_loop3A to %parallel_loop3A_59 step %parallel_loop3A_60  : i32 {
        %parallel_loop3A_177 = arith.index_cast %parallel_loop3A_176 : i32 to index
        %parallel_loop3A_178 = arith.constant 0 : index
        %parallel_loop3A_179 = tpu.vector_load %arg6[%parallel_loop3A_177, %parallel_loop3A_178] {strides = array<i32>} : memref<128x128xf32, #tpu.memory_space<vmem>>, vector<1x16xf32>,
        %parallel_loop3A_180 = vector.shape_cast %parallel_loop3A_179 : vector<1x16xf32> to vector<16xf32>
        %parallel_loop3A_181 = arith.constant 11.3137083 : f32
        %parallel_loop3A_182 = vector.broadcast %parallel_loop3A_181 : f32 to vector<16xf32>
        %parallel_loop3A_183 = arith.mulf %parallel_loop3A_180, %parallel_loop3A_182 : vector<16xf32>
        %parallel_loop3A_184 = arith.index_cast %parallel_loop3A_176 : i32 to index
        %parallel_loop3A_185 = arith.constant 0 : index
        %parallel_loop3A_186 = tpu.vector_load %arg6[%parallel_loop3A_184, %parallel_loop3A_185] {strides = array<i32>} : memref<128x128xf32, #tpu.memory_space<vmem>>, vector<1x16xf32>,
        %parallel_loop3A_187 = vector.shape_cast %parallel_loop3A_186 : vector<1x16xf32> to vector<16xf32>
        %parallel_loop3A_188 = vector.shape_cast %parallel_loop3A_183 : vector<16xf32> to vector<1x16xf32>
        tpu.vector_store %arg6[%parallel_loop3A_184, %parallel_loop3A_185], %parallel_loop3A_188 {strides = array<i32>} : memref<128x128xf32, #tpu.memory_space<vmem>>, vector<1x16xf32>,
        %parallel_loop3A_189 = arith.index_cast %parallel_loop3A_176 : i32 to index
        %parallel_loop3A_190 = arith.constant 16 : index
        %parallel_loop3A_191 = tpu.vector_load %arg6[%parallel_loop3A_189, %parallel_loop3A_190] {strides = array<i32>} : memref<128x128xf32, #tpu.memory_space<vmem>>, vector<1x16xf32>,
        %parallel_loop3A_192 = vector.shape_cast %parallel_loop3A_191 : vector<1x16xf32> to vector<16xf32>
        %parallel_loop3A_193 = arith.constant 11.3137083 : f32
        %parallel_loop3A_194 = vector.broadcast %parallel_loop3A_193 : f32 to vector<16xf32>
        %parallel_loop3A_195 = arith.mulf %parallel_loop3A_192, %parallel_loop3A_194 : vector<16xf32>
        %parallel_loop3A_196 = arith.index_cast %parallel_loop3A_176 : i32 to index
        %parallel_loop3A_197 = arith.constant 16 : index
        %parallel_loop3A_198 = tpu.vector_load %arg6[%parallel_loop3A_196, %parallel_loop3A_197] {strides = array<i32>} : memref<128x128xf32, #tpu.memory_space<vmem>>, vector<1x16xf32>,
        %parallel_loop3A_199 = vector.shape_cast %parallel_loop3A_198 : vector<1x16xf32> to vector<16xf32>
        %parallel_loop3A_200 = vector.shape_cast %parallel_loop3A_195 : vector<16xf32> to vector<1x16xf32>
        tpu.vector_store %arg6[%parallel_loop3A_196, %parallel_loop3A_197], %parallel_loop3A_200 {strides = array<i32>} : memref<128x128xf32, #tpu.memory_space<vmem>>, vector<1x16xf32>,
        %parallel_loop3A_201 = arith.index_cast %parallel_loop3A_176 : i32 to index
        %parallel_loop3A_202 = arith.constant 32 : index
        %parallel_loop3A_203 = tpu.vector_load %arg6[%parallel_loop3A_201, %parallel_loop3A_202] {strides = array<i32>} : memref<128x128xf32, #tpu.memory_space<vmem>>, vector<1x16xf32>,
        %parallel_loop3A_204 = vector.shape_cast %parallel_loop3A_203 : vector<1x16xf32> to vector<16xf32>
        %parallel_loop3A_205 = arith.constant 11.3137083 : f32
        %parallel_loop3A_206 = vector.broadcast %parallel_loop3A_205 : f32 to vector<16xf32>
        %parallel_loop3A_207 = arith.mulf %parallel_loop3A_204, %parallel_loop3A_206 : vector<16xf32>
        %parallel_loop3A_208 = arith.index_cast %parallel_loop3A_176 : i32 to index
        %parallel_loop3A_209 = arith.constant 32 : index
        %parallel_loop3A_210 = tpu.vector_load %arg6[%parallel_loop3A_208, %parallel_loop3A_209] {strides = array<i32>} : memref<128x128xf32, #tpu.memory_space<vmem>>, vector<1x16xf32>,
        %parallel_loop3A_211 = vector.shape_cast %parallel_loop3A_210 : vector<1x16xf32> to vector<16xf32>
        %parallel_loop3A_212 = vector.shape_cast %parallel_loop3A_207 : vector<16xf32> to vector<1x16xf32>
        tpu.vector_store %arg6[%parallel_loop3A_208, %parallel_loop3A_209], %parallel_loop3A_212 {strides = array<i32>} : memref<128x128xf32, #tpu.memory_space<vmem>>, vector<1x16xf32>,
        %parallel_loop3A_213 = arith.index_cast %parallel_loop3A_176 : i32 to index
        %parallel_loop3A_214 = arith.constant 48 : index
        %parallel_loop3A_215 = tpu.vector_load %arg6[%parallel_loop3A_213, %parallel_loop3A_214] {strides = array<i32>} : memref<128x128xf32, #tpu.memory_space<vmem>>, vector<1x16xf32>,
        %parallel_loop3A_216 = vector.shape_cast %parallel_loop3A_215 : vector<1x16xf32> to vector<16xf32>
        %parallel_loop3A_217 = arith.constant 11.3137083 : f32
        %parallel_loop3A_218 = vector.broadcast %parallel_loop3A_217 : f32 to vector<16xf32>
        %parallel_loop3A_219 = arith.mulf %parallel_loop3A_216, %parallel_loop3A_218 : vector<16xf32>
        %parallel_loop3A_220 = arith.index_cast %parallel_loop3A_176 : i32 to index
        %parallel_loop3A_221 = arith.constant 48 : index
        %parallel_loop3A_222 = tpu.vector_load %arg6[%parallel_loop3A_220, %parallel_loop3A_221] {strides = array<i32>} : memref<128x128xf32, #tpu.memory_space<vmem>>, vector<1x16xf32>,
        %parallel_loop3A_223 = vector.shape_cast %parallel_loop3A_222 : vector<1x16xf32> to vector<16xf32>
        %parallel_loop3A_224 = vector.shape_cast %parallel_loop3A_219 : vector<16xf32> to vector<1x16xf32>
        tpu.vector_store %arg6[%parallel_loop3A_220, %parallel_loop3A_221], %parallel_loop3A_224 {strides = array<i32>} : memref<128x128xf32, #tpu.memory_space<vmem>>, vector<1x16xf32>,
        %parallel_loop3A_225 = arith.index_cast %parallel_loop3A_176 : i32 to index
        %parallel_loop3A_226 = arith.constant 64 : index
        %parallel_loop3A_227 = tpu.vector_load %arg6[%parallel_loop3A_225, %parallel_loop3A_226] {strides = array<i32>} : memref<128x128xf32, #tpu.memory_space<vmem>>, vector<1x16xf32>,
        %parallel_loop3A_228 = vector.shape_cast %parallel_loop3A_227 : vector<1x16xf32> to vector<16xf32>
        %parallel_loop3A_229 = arith.constant 11.3137083 : f32
        %parallel_loop3A_230 = vector.broadcast %parallel_loop3A_229 : f32 to vector<16xf32>
        %parallel_loop3A_231 = arith.mulf %parallel_loop3A_228, %parallel_loop3A_230 : vector<16xf32>
        %parallel_loop3A_232 = arith.index_cast %parallel_loop3A_176 : i32 to index
        %parallel_loop3A_233 = arith.constant 64 : index
        %parallel_loop3A_234 = tpu.vector_load %arg6[%parallel_loop3A_232, %parallel_loop3A_233] {strides = array<i32>} : memref<128x128xf32, #tpu.memory_space<vmem>>, vector<1x16xf32>,
        %parallel_loop3A_235 = vector.shape_cast %parallel_loop3A_234 : vector<1x16xf32> to vector<16xf32>
        %parallel_loop3A_236 = vector.shape_cast %parallel_loop3A_231 : vector<16xf32> to vector<1x16xf32>
        tpu.vector_store %arg6[%parallel_loop3A_232, %parallel_loop3A_233], %parallel_loop3A_236 {strides = array<i32>} : memref<128x128xf32, #tpu.memory_space<vmem>>, vector<1x16xf32>,
        %parallel_loop3A_237 = arith.index_cast %parallel_loop3A_176 : i32 to index
        %parallel_loop3A_238 = arith.constant 80 : index
        %parallel_loop3A_239 = tpu.vector_load %arg6[%parallel_loop3A_237, %parallel_loop3A_238] {strides = array<i32>} : memref<128x128xf32, #tpu.memory_space<vmem>>, vector<1x16xf32>,
        %parallel_loop3A_240 = vector.shape_cast %parallel_loop3A_239 : vector<1x16xf32> to vector<16xf32>
        %parallel_loop3A_241 = arith.constant 11.3137083 : f32
        %parallel_loop3A_242 = vector.broadcast %parallel_loop3A_241 : f32 to vector<16xf32>
        %parallel_loop3A_243 = arith.mulf %parallel_loop3A_240, %parallel_loop3A_242 : vector<16xf32>
        %parallel_loop3A_244 = arith.index_cast %parallel_loop3A_176 : i32 to index
        %parallel_loop3A_245 = arith.constant 80 : index
        %parallel_loop3A_246 = tpu.vector_load %arg6[%parallel_loop3A_244, %parallel_loop3A_245] {strides = array<i32>} : memref<128x128xf32, #tpu.memory_space<vmem>>, vector<1x16xf32>,
        %parallel_loop3A_247 = vector.shape_cast %parallel_loop3A_246 : vector<1x16xf32> to vector<16xf32>
        %parallel_loop3A_248 = vector.shape_cast %parallel_loop3A_243 : vector<16xf32> to vector<1x16xf32>
        tpu.vector_store %arg6[%parallel_loop3A_244, %parallel_loop3A_245], %parallel_loop3A_248 {strides = array<i32>} : memref<128x128xf32, #tpu.memory_space<vmem>>, vector<1x16xf32>,
        %parallel_loop3A_249 = arith.index_cast %parallel_loop3A_176 : i32 to index
        %parallel_loop3A_250 = arith.constant 96 : index
        %parallel_loop3A_251 = tpu.vector_load %arg6[%parallel_loop3A_249, %parallel_loop3A_250] {strides = array<i32>} : memref<128x128xf32, #tpu.memory_space<vmem>>, vector<1x16xf32>,
        %parallel_loop3A_252 = vector.shape_cast %parallel_loop3A_251 : vector<1x16xf32> to vector<16xf32>
        %parallel_loop3A_253 = arith.constant 11.3137083 : f32
        %parallel_loop3A_254 = vector.broadcast %parallel_loop3A_253 : f32 to vector<16xf32>
        %parallel_loop3A_255 = arith.mulf %parallel_loop3A_252, %parallel_loop3A_254 : vector<16xf32>
        %parallel_loop3A_256 = arith.index_cast %parallel_loop3A_176 : i32 to index
        %parallel_loop3A_257 = arith.constant 96 : index
        %parallel_loop3A_258 = tpu.vector_load %arg6[%parallel_loop3A_256, %parallel_loop3A_257] {strides = array<i32>} : memref<128x128xf32, #tpu.memory_space<vmem>>, vector<1x16xf32>,
        %parallel_loop3A_259 = vector.shape_cast %parallel_loop3A_258 : vector<1x16xf32> to vector<16xf32>
        %parallel_loop3A_260 = vector.shape_cast %parallel_loop3A_255 : vector<16xf32> to vector<1x16xf32>
        tpu.vector_store %arg6[%parallel_loop3A_256, %parallel_loop3A_257], %parallel_loop3A_260 {strides = array<i32>} : memref<128x128xf32, #tpu.memory_space<vmem>>, vector<1x16xf32>,
        %parallel_loop3A_261 = arith.index_cast %parallel_loop3A_176 : i32 to index
        %parallel_loop3A_262 = arith.constant 112 : index
        %parallel_loop3A_263 = tpu.vector_load %arg6[%parallel_loop3A_261, %parallel_loop3A_262] {strides = array<i32>} : memref<128x128xf32, #tpu.memory_space<vmem>>, vector<1x16xf32>,
        %parallel_loop3A_264 = vector.shape_cast %parallel_loop3A_263 : vector<1x16xf32> to vector<16xf32>
        %parallel_loop3A_265 = arith.constant 11.3137083 : f32
        %parallel_loop3A_266 = vector.broadcast %parallel_loop3A_265 : f32 to vector<16xf32>
        %parallel_loop3A_267 = arith.mulf %parallel_loop3A_264, %parallel_loop3A_266 : vector<16xf32>
        %parallel_loop3A_268 = arith.index_cast %parallel_loop3A_176 : i32 to index
        %parallel_loop3A_269 = arith.constant 112 : index
        %parallel_loop3A_270 = tpu.vector_load %arg6[%parallel_loop3A_268, %parallel_loop3A_269] {strides = array<i32>} : memref<128x128xf32, #tpu.memory_space<vmem>>, vector<1x16xf32>,
        %parallel_loop3A_271 = vector.shape_cast %parallel_loop3A_270 : vector<1x16xf32> to vector<16xf32>
        %parallel_loop3A_272 = vector.shape_cast %parallel_loop3A_267 : vector<16xf32> to vector<1x16xf32>
        tpu.vector_store %arg6[%parallel_loop3A_268, %parallel_loop3A_269], %parallel_loop3A_272 {strides = array<i32>} : memref<128x128xf32, #tpu.memory_space<vmem>>, vector<1x16xf32>,
      } {sc.loop_unroll_factor = 4 : i64, sc.parallel_access}
      %mul3A_61 = arith.constant 128 : i32
      %mul3A_62 = arith.muli %add3A_48, %mul3A_61 : i32
      %add3A_63 = arith.addi %mul3A_2, %mul3A_62 : i32
      %dma_start3A_64 = arith.constant 0 : i32
      %dma_start3A_65 = tpu.memref_slice %arg4[%add3A_63, %dma_start3A_64] : memref<204800x128xf32, #tpu.memory_space<hbm>> -> memref<128x128xf32, #tpu.memory_space<hbm>>
      %dma_start3A_66 = arith.constant 0 : i32
      %dma_start3A_67 = tpu.memref_slice %arg4[%add3A_63, %dma_start3A_66] : memref<204800x128xf32, #tpu.memory_space<hbm>> -> memref<128x128xf32, #tpu.memory_space<hbm>>
      tpu.enqueue_dma source(%arg6 : memref<128x128xf32, #tpu.memory_space<vmem>>) target(%dma_start3A_67 : memref<128x128xf32, #tpu.memory_space<hbm>>) target_semaphore(%arg16 : memref<!tpu.dma_semaphore, #tpu.memory_space<semaphore_mem>>)
      %mul3A_68 = arith.constant 5 : i32
      %mul3A_69 = arith.muli %add3A_44, %mul3A_68 : i32
      %add3A_70 = arith.constant 1 : i32
      %add3A_71 = arith.addi %mul3A_69, %add3A_70 : i32
      %add3A_72 = arith.constant 3 : i32
      %add3A_73 = arith.addi %add3A_71, %add3A_72 : i32
      %lt3A_74 = arith.constant 50 : i32
      %lt3A_75 = arith.cmpi slt, %add3A_73, %lt3A_74 : i32
      %convert_element_type3A_76 = arith.extui %lt3A_75 : i1 to i32
      %cond3A_77 = arith.constant 0 : i32
      %cond3A_78 = arith.cmpi ne, %convert_element_type3A_76, %cond3A_77 : i32
      scf.if %cond3A_78 {
        %ge3A = arith.constant 5 : i32
        %ge3A_176 = arith.cmpi sge, %add3A_73, %ge3A : i32
        %convert_element_type3A_177 = arith.extui %ge3A_176 : i1 to i32
        %cond3A_178 = arith.constant 0 : i32
        %cond3A_179 = arith.cmpi ne, %convert_element_type3A_177, %cond3A_178 : i32
        scf.if %cond3A_179 {
          %dma_wait3A_186 = arith.constant 0 : i32
          %dma_wait3A_187 = tpu.memref_slice %arg4[%mul3A_2, %dma_wait3A_186] : memref<204800x128xf32, #tpu.memory_space<hbm>> -> memref<128x128xf32, #tpu.memory_space<hbm>>
          %dma_wait3A_188 = arith.constant 0 : i32
          %dma_wait3A_189 = tpu.memref_slice %arg4[%mul3A_2, %dma_wait3A_188] : memref<204800x128xf32, #tpu.memory_space<hbm>> -> memref<128x128xf32, #tpu.memory_space<hbm>>
          tpu.wait_dma2 semaphore(%arg20 : memref<!tpu.dma_semaphore, #tpu.memory_space<semaphore_mem>>) src(%arg10 : memref<128x128xf32, #tpu.memory_space<vmem>>) dst(%dma_wait3A_189 : memref<128x128xf32, #tpu.memory_space<hbm>>)
        } else {
        }
        %mul3A_180 = arith.constant 128 : i32
        %mul3A_181 = arith.muli %add3A_73, %mul3A_180 : i32
        %dma_start3A_182 = tpu.memref_slice %arg5[%mul3A_181] : memref<6400xi32, #tpu.memory_space<vmem>> -> memref<128xi32, #tpu.memory_space<vmem>>
        %dma_start3A_183 = arith.constant 0 : i32
        %dma_start3A_184 = arith.constant 0 : i32
        %dma_start3A_185 = tpu.memref_slice %arg3[%dma_start3A_183, %dma_start3A_184] : memref<100000x128xf32, #tpu.memory_space<hbm>> -> memref<100000x128xf32, #tpu.memory_space<hbm>>
        tpu.enqueue_indirect_dma source(%dma_start3A_185 : memref<100000x128xf32, #tpu.memory_space<hbm>>) target(%arg10 : memref<128x128xf32, #tpu.memory_space<vmem>>) offsets(%dma_start3A_182 : memref<128xi32, #tpu.memory_space<vmem>>) semaphore(%arg15 : memref<!tpu.dma_semaphore, #tpu.memory_space<semaphore_mem>>)
      } else {
      }
      %dma_wait3A_79 = arith.constant 0 : i32
      %dma_wait3A_80 = arith.constant 0 : i32
      %dma_wait3A_81 = tpu.memref_slice %arg3[%dma_wait3A_79, %dma_wait3A_80] : memref<100000x128xf32, #tpu.memory_space<hbm>> -> memref<128x128xf32, #tpu.memory_space<hbm>>
      %dma_wait3A_82 = arith.constant 0 : i32
      %dma_wait3A_83 = arith.constant 0 : i32
      %dma_wait3A_84 = tpu.memref_slice %arg3[%dma_wait3A_82, %dma_wait3A_83] : memref<100000x128xf32, #tpu.memory_space<hbm>> -> memref<128x128xf32, #tpu.memory_space<hbm>>
      tpu.wait_dma2 semaphore(%arg12 : memref<!tpu.dma_semaphore, #tpu.memory_space<semaphore_mem>>) src(%dma_wait3A_84 : memref<128x128xf32, #tpu.memory_space<hbm>>) dst(%arg7 : memref<128x128xf32, #tpu.memory_space<vmem>>)
      %parallel_loop3A_85 = arith.constant 0 : i32
      %parallel_loop3A_86 = arith.constant 128 : i32
      %parallel_loop3A_87 = arith.constant 1 : i32
      scf.for %parallel_loop3A_176 = %parallel_loop3A_85 to %parallel_loop3A_86 step %parallel_loop3A_87  : i32 {
        %parallel_loop3A_177 = arith.index_cast %parallel_loop3A_176 : i32 to index
        %parallel_loop3A_178 = arith.constant 0 : index
        %parallel_loop3A_179 = tpu.vector_load %arg7[%parallel_loop3A_177, %parallel_loop3A_178] {strides = array<i32>} : memref<128x128xf32, #tpu.memory_space<vmem>>, vector<1x16xf32>,
        %parallel_loop3A_180 = vector.shape_cast %parallel_loop3A_179 : vector<1x16xf32> to vector<16xf32>
        %parallel_loop3A_181 = arith.constant 11.3137083 : f32
        %parallel_loop3A_182 = vector.broadcast %parallel_loop3A_181 : f32 to vector<16xf32>
        %parallel_loop3A_183 = arith.mulf %parallel_loop3A_180, %parallel_loop3A_182 : vector<16xf32>
        %parallel_loop3A_184 = arith.index_cast %parallel_loop3A_176 : i32 to index
        %parallel_loop3A_185 = arith.constant 0 : index
        %parallel_loop3A_186 = tpu.vector_load %arg7[%parallel_loop3A_184, %parallel_loop3A_185] {strides = array<i32>} : memref<128x128xf32, #tpu.memory_space<vmem>>, vector<1x16xf32>,
        %parallel_loop3A_187 = vector.shape_cast %parallel_loop3A_186 : vector<1x16xf32> to vector<16xf32>
        %parallel_loop3A_188 = vector.shape_cast %parallel_loop3A_183 : vector<16xf32> to vector<1x16xf32>
        tpu.vector_store %arg7[%parallel_loop3A_184, %parallel_loop3A_185], %parallel_loop3A_188 {strides = array<i32>} : memref<128x128xf32, #tpu.memory_space<vmem>>, vector<1x16xf32>,
        %parallel_loop3A_189 = arith.index_cast %parallel_loop3A_176 : i32 to index
        %parallel_loop3A_190 = arith.constant 16 : index
        %parallel_loop3A_191 = tpu.vector_load %arg7[%parallel_loop3A_189, %parallel_loop3A_190] {strides = array<i32>} : memref<128x128xf32, #tpu.memory_space<vmem>>, vector<1x16xf32>,
        %parallel_loop3A_192 = vector.shape_cast %parallel_loop3A_191 : vector<1x16xf32> to vector<16xf32>
        %parallel_loop3A_193 = arith.constant 11.3137083 : f32
        %parallel_loop3A_194 = vector.broadcast %parallel_loop3A_193 : f32 to vector<16xf32>
        %parallel_loop3A_195 = arith.mulf %parallel_loop3A_192, %parallel_loop3A_194 : vector<16xf32>
        %parallel_loop3A_196 = arith.index_cast %parallel_loop3A_176 : i32 to index
        %parallel_loop3A_197 = arith.constant 16 : index
        %parallel_loop3A_198 = tpu.vector_load %arg7[%parallel_loop3A_196, %parallel_loop3A_197] {strides = array<i32>} : memref<128x128xf32, #tpu.memory_space<vmem>>, vector<1x16xf32>,
        %parallel_loop3A_199 = vector.shape_cast %parallel_loop3A_198 : vector<1x16xf32> to vector<16xf32>
        %parallel_loop3A_200 = vector.shape_cast %parallel_loop3A_195 : vector<16xf32> to vector<1x16xf32>
        tpu.vector_store %arg7[%parallel_loop3A_196, %parallel_loop3A_197], %parallel_loop3A_200 {strides = array<i32>} : memref<128x128xf32, #tpu.memory_space<vmem>>, vector<1x16xf32>,
        %parallel_loop3A_201 = arith.index_cast %parallel_loop3A_176 : i32 to index
        %parallel_loop3A_202 = arith.constant 32 : index
        %parallel_loop3A_203 = tpu.vector_load %arg7[%parallel_loop3A_201, %parallel_loop3A_202] {strides = array<i32>} : memref<128x128xf32, #tpu.memory_space<vmem>>, vector<1x16xf32>,
        %parallel_loop3A_204 = vector.shape_cast %parallel_loop3A_203 : vector<1x16xf32> to vector<16xf32>
        %parallel_loop3A_205 = arith.constant 11.3137083 : f32
        %parallel_loop3A_206 = vector.broadcast %parallel_loop3A_205 : f32 to vector<16xf32>
        %parallel_loop3A_207 = arith.mulf %parallel_loop3A_204, %parallel_loop3A_206 : vector<16xf32>
        %parallel_loop3A_208 = arith.index_cast %parallel_loop3A_176 : i32 to index
        %parallel_loop3A_209 = arith.constant 32 : index
        %parallel_loop3A_210 = tpu.vector_load %arg7[%parallel_loop3A_208, %parallel_loop3A_209] {strides = array<i32>} : memref<128x128xf32, #tpu.memory_space<vmem>>, vector<1x16xf32>,
        %parallel_loop3A_211 = vector.shape_cast %parallel_loop3A_210 : vector<1x16xf32> to vector<16xf32>
        %parallel_loop3A_212 = vector.shape_cast %parallel_loop3A_207 : vector<16xf32> to vector<1x16xf32>
        tpu.vector_store %arg7[%parallel_loop3A_208, %parallel_loop3A_209], %parallel_loop3A_212 {strides = array<i32>} : memref<128x128xf32, #tpu.memory_space<vmem>>, vector<1x16xf32>,
        %parallel_loop3A_213 = arith.index_cast %parallel_loop3A_176 : i32 to index
        %parallel_loop3A_214 = arith.constant 48 : index
        %parallel_loop3A_215 = tpu.vector_load %arg7[%parallel_loop3A_213, %parallel_loop3A_214] {strides = array<i32>} : memref<128x128xf32, #tpu.memory_space<vmem>>, vector<1x16xf32>,
        %parallel_loop3A_216 = vector.shape_cast %parallel_loop3A_215 : vector<1x16xf32> to vector<16xf32>
        %parallel_loop3A_217 = arith.constant 11.3137083 : f32
        %parallel_loop3A_218 = vector.broadcast %parallel_loop3A_217 : f32 to vector<16xf32>
        %parallel_loop3A_219 = arith.mulf %parallel_loop3A_216, %parallel_loop3A_218 : vector<16xf32>
        %parallel_loop3A_220 = arith.index_cast %parallel_loop3A_176 : i32 to index
        %parallel_loop3A_221 = arith.constant 48 : index
        %parallel_loop3A_222 = tpu.vector_load %arg7[%parallel_loop3A_220, %parallel_loop3A_221] {strides = array<i32>} : memref<128x128xf32, #tpu.memory_space<vmem>>, vector<1x16xf32>,
        %parallel_loop3A_223 = vector.shape_cast %parallel_loop3A_222 : vector<1x16xf32> to vector<16xf32>
        %parallel_loop3A_224 = vector.shape_cast %parallel_loop3A_219 : vector<16xf32> to vector<1x16xf32>
        tpu.vector_store %arg7[%parallel_loop3A_220, %parallel_loop3A_221], %parallel_loop3A_224 {strides = array<i32>} : memref<128x128xf32, #tpu.memory_space<vmem>>, vector<1x16xf32>,
        %parallel_loop3A_225 = arith.index_cast %parallel_loop3A_176 : i32 to index
        %parallel_loop3A_226 = arith.constant 64 : index
        %parallel_loop3A_227 = tpu.vector_load %arg7[%parallel_loop3A_225, %parallel_loop3A_226] {strides = array<i32>} : memref<128x128xf32, #tpu.memory_space<vmem>>, vector<1x16xf32>,
        %parallel_loop3A_228 = vector.shape_cast %parallel_loop3A_227 : vector<1x16xf32> to vector<16xf32>
        %parallel_loop3A_229 = arith.constant 11.3137083 : f32
        %parallel_loop3A_230 = vector.broadcast %parallel_loop3A_229 : f32 to vector<16xf32>
        %parallel_loop3A_231 = arith.mulf %parallel_loop3A_228, %parallel_loop3A_230 : vector<16xf32>
        %parallel_loop3A_232 = arith.index_cast %parallel_loop3A_176 : i32 to index
        %parallel_loop3A_233 = arith.constant 64 : index
        %parallel_loop3A_234 = tpu.vector_load %arg7[%parallel_loop3A_232, %parallel_loop3A_233] {strides = array<i32>} : memref<128x128xf32, #tpu.memory_space<vmem>>, vector<1x16xf32>,
        %parallel_loop3A_235 = vector.shape_cast %parallel_loop3A_234 : vector<1x16xf32> to vector<16xf32>
        %parallel_loop3A_236 = vector.shape_cast %parallel_loop3A_231 : vector<16xf32> to vector<1x16xf32>
        tpu.vector_store %arg7[%parallel_loop3A_232, %parallel_loop3A_233], %parallel_loop3A_236 {strides = array<i32>} : memref<128x128xf32, #tpu.memory_space<vmem>>, vector<1x16xf32>,
        %parallel_loop3A_237 = arith.index_cast %parallel_loop3A_176 : i32 to index
        %parallel_loop3A_238 = arith.constant 80 : index
        %parallel_loop3A_239 = tpu.vector_load %arg7[%parallel_loop3A_237, %parallel_loop3A_238] {strides = array<i32>} : memref<128x128xf32, #tpu.memory_space<vmem>>, vector<1x16xf32>,
        %parallel_loop3A_240 = vector.shape_cast %parallel_loop3A_239 : vector<1x16xf32> to vector<16xf32>
        %parallel_loop3A_241 = arith.constant 11.3137083 : f32
        %parallel_loop3A_242 = vector.broadcast %parallel_loop3A_241 : f32 to vector<16xf32>
        %parallel_loop3A_243 = arith.mulf %parallel_loop3A_240, %parallel_loop3A_242 : vector<16xf32>
        %parallel_loop3A_244 = arith.index_cast %parallel_loop3A_176 : i32 to index
        %parallel_loop3A_245 = arith.constant 80 : index
        %parallel_loop3A_246 = tpu.vector_load %arg7[%parallel_loop3A_244, %parallel_loop3A_245] {strides = array<i32>} : memref<128x128xf32, #tpu.memory_space<vmem>>, vector<1x16xf32>,
        %parallel_loop3A_247 = vector.shape_cast %parallel_loop3A_246 : vector<1x16xf32> to vector<16xf32>
        %parallel_loop3A_248 = vector.shape_cast %parallel_loop3A_243 : vector<16xf32> to vector<1x16xf32>
        tpu.vector_store %arg7[%parallel_loop3A_244, %parallel_loop3A_245], %parallel_loop3A_248 {strides = array<i32>} : memref<128x128xf32, #tpu.memory_space<vmem>>, vector<1x16xf32>,
        %parallel_loop3A_249 = arith.index_cast %parallel_loop3A_176 : i32 to index
        %parallel_loop3A_250 = arith.constant 96 : index
        %parallel_loop3A_251 = tpu.vector_load %arg7[%parallel_loop3A_249, %parallel_loop3A_250] {strides = array<i32>} : memref<128x128xf32, #tpu.memory_space<vmem>>, vector<1x16xf32>,
        %parallel_loop3A_252 = vector.shape_cast %parallel_loop3A_251 : vector<1x16xf32> to vector<16xf32>
        %parallel_loop3A_253 = arith.constant 11.3137083 : f32
        %parallel_loop3A_254 = vector.broadcast %parallel_loop3A_253 : f32 to vector<16xf32>
        %parallel_loop3A_255 = arith.mulf %parallel_loop3A_252, %parallel_loop3A_254 : vector<16xf32>
        %parallel_loop3A_256 = arith.index_cast %parallel_loop3A_176 : i32 to index
        %parallel_loop3A_257 = arith.constant 96 : index
        %parallel_loop3A_258 = tpu.vector_load %arg7[%parallel_loop3A_256, %parallel_loop3A_257] {strides = array<i32>} : memref<128x128xf32, #tpu.memory_space<vmem>>, vector<1x16xf32>,
        %parallel_loop3A_259 = vector.shape_cast %parallel_loop3A_258 : vector<1x16xf32> to vector<16xf32>
        %parallel_loop3A_260 = vector.shape_cast %parallel_loop3A_255 : vector<16xf32> to vector<1x16xf32>
        tpu.vector_store %arg7[%parallel_loop3A_256, %parallel_loop3A_257], %parallel_loop3A_260 {strides = array<i32>} : memref<128x128xf32, #tpu.memory_space<vmem>>, vector<1x16xf32>,
        %parallel_loop3A_261 = arith.index_cast %parallel_loop3A_176 : i32 to index
        %parallel_loop3A_262 = arith.constant 112 : index
        %parallel_loop3A_263 = tpu.vector_load %arg7[%parallel_loop3A_261, %parallel_loop3A_262] {strides = array<i32>} : memref<128x128xf32, #tpu.memory_space<vmem>>, vector<1x16xf32>,
        %parallel_loop3A_264 = vector.shape_cast %parallel_loop3A_263 : vector<1x16xf32> to vector<16xf32>
        %parallel_loop3A_265 = arith.constant 11.3137083 : f32
        %parallel_loop3A_266 = vector.broadcast %parallel_loop3A_265 : f32 to vector<16xf32>
        %parallel_loop3A_267 = arith.mulf %parallel_loop3A_264, %parallel_loop3A_266 : vector<16xf32>
        %parallel_loop3A_268 = arith.index_cast %parallel_loop3A_176 : i32 to index
        %parallel_loop3A_269 = arith.constant 112 : index
        %parallel_loop3A_270 = tpu.vector_load %arg7[%parallel_loop3A_268, %parallel_loop3A_269] {strides = array<i32>} : memref<128x128xf32, #tpu.memory_space<vmem>>, vector<1x16xf32>,
        %parallel_loop3A_271 = vector.shape_cast %parallel_loop3A_270 : vector<1x16xf32> to vector<16xf32>
        %parallel_loop3A_272 = vector.shape_cast %parallel_loop3A_267 : vector<16xf32> to vector<1x16xf32>
        tpu.vector_store %arg7[%parallel_loop3A_268, %parallel_loop3A_269], %parallel_loop3A_272 {strides = array<i32>} : memref<128x128xf32, #tpu.memory_space<vmem>>, vector<1x16xf32>,
      } {sc.loop_unroll_factor = 4 : i64, sc.parallel_access}
      %mul3A_88 = arith.constant 128 : i32
      %mul3A_89 = arith.muli %add3A_71, %mul3A_88 : i32
      %add3A_90 = arith.addi %mul3A_2, %mul3A_89 : i32
      %dma_start3A_91 = arith.constant 0 : i32
      %dma_start3A_92 = tpu.memref_slice %arg4[%add3A_90, %dma_start3A_91] : memref<204800x128xf32, #tpu.memory_space<hbm>> -> memref<128x128xf32, #tpu.memory_space<hbm>>
      %dma_start3A_93 = arith.constant 0 : i32
      %dma_start3A_94 = tpu.memref_slice %arg4[%add3A_90, %dma_start3A_93] : memref<204800x128xf32, #tpu.memory_space<hbm>> -> memref<128x128xf32, #tpu.memory_space<hbm>>
      tpu.enqueue_dma source(%arg7 : memref<128x128xf32, #tpu.memory_space<vmem>>) target(%dma_start3A_94 : memref<128x128xf32, #tpu.memory_space<hbm>>) target_semaphore(%arg17 : memref<!tpu.dma_semaphore, #tpu.memory_space<semaphore_mem>>)
      %mul3A_95 = arith.constant 5 : i32
      %mul3A_96 = arith.muli %add3A_44, %mul3A_95 : i32
      %add3A_97 = arith.constant 2 : i32
      %add3A_98 = arith.addi %mul3A_96, %add3A_97 : i32
      %add3A_99 = arith.constant 3 : i32
      %add3A_100 = arith.addi %add3A_98, %add3A_99 : i32
      %lt3A_101 = arith.constant 50 : i32
      %lt3A_102 = arith.cmpi slt, %add3A_100, %lt3A_101 : i32
      %convert_element_type3A_103 = arith.extui %lt3A_102 : i1 to i32
      %cond3A_104 = arith.constant 0 : i32
      %cond3A_105 = arith.cmpi ne, %convert_element_type3A_103, %cond3A_104 : i32
      scf.if %cond3A_105 {
        %ge3A = arith.constant 5 : i32
        %ge3A_176 = arith.cmpi sge, %add3A_100, %ge3A : i32
        %convert_element_type3A_177 = arith.extui %ge3A_176 : i1 to i32
        %cond3A_178 = arith.constant 0 : i32
        %cond3A_179 = arith.cmpi ne, %convert_element_type3A_177, %cond3A_178 : i32
        scf.if %cond3A_179 {
          %dma_wait3A_186 = arith.constant 0 : i32
          %dma_wait3A_187 = tpu.memref_slice %arg4[%mul3A_2, %dma_wait3A_186] : memref<204800x128xf32, #tpu.memory_space<hbm>> -> memref<128x128xf32, #tpu.memory_space<hbm>>
          %dma_wait3A_188 = arith.constant 0 : i32
          %dma_wait3A_189 = tpu.memref_slice %arg4[%mul3A_2, %dma_wait3A_188] : memref<204800x128xf32, #tpu.memory_space<hbm>> -> memref<128x128xf32, #tpu.memory_space<hbm>>
          tpu.wait_dma2 semaphore(%arg16 : memref<!tpu.dma_semaphore, #tpu.memory_space<semaphore_mem>>) src(%arg6 : memref<128x128xf32, #tpu.memory_space<vmem>>) dst(%dma_wait3A_189 : memref<128x128xf32, #tpu.memory_space<hbm>>)
        } else {
        }
        %mul3A_180 = arith.constant 128 : i32
        %mul3A_181 = arith.muli %add3A_100, %mul3A_180 : i32
        %dma_start3A_182 = tpu.memref_slice %arg5[%mul3A_181] : memref<6400xi32, #tpu.memory_space<vmem>> -> memref<128xi32, #tpu.memory_space<vmem>>
        %dma_start3A_183 = arith.constant 0 : i32
        %dma_start3A_184 = arith.constant 0 : i32
        %dma_start3A_185 = tpu.memref_slice %arg3[%dma_start3A_183, %dma_start3A_184] : memref<100000x128xf32, #tpu.memory_space<hbm>> -> memref<100000x128xf32, #tpu.memory_space<hbm>>
        tpu.enqueue_indirect_dma source(%dma_start3A_185 : memref<100000x128xf32, #tpu.memory_space<hbm>>) target(%arg6 : memref<128x128xf32, #tpu.memory_space<vmem>>) offsets(%dma_start3A_182 : memref<128xi32, #tpu.memory_space<vmem>>) semaphore(%arg11 : memref<!tpu.dma_semaphore, #tpu.memory_space<semaphore_mem>>)
      } else {
      }
      %dma_wait3A_106 = arith.constant 0 : i32
      %dma_wait3A_107 = arith.constant 0 : i32
      %dma_wait3A_108 = tpu.memref_slice %arg3[%dma_wait3A_106, %dma_wait3A_107] : memref<100000x128xf32, #tpu.memory_space<hbm>> -> memref<128x128xf32, #tpu.memory_space<hbm>>
      %dma_wait3A_109 = arith.constant 0 : i32
      %dma_wait3A_110 = arith.constant 0 : i32
      %dma_wait3A_111 = tpu.memref_slice %arg3[%dma_wait3A_109, %dma_wait3A_110] : memref<100000x128xf32, #tpu.memory_space<hbm>> -> memref<128x128xf32, #tpu.memory_space<hbm>>
      tpu.wait_dma2 semaphore(%arg13 : memref<!tpu.dma_semaphore, #tpu.memory_space<semaphore_mem>>) src(%dma_wait3A_111 : memref<128x128xf32, #tpu.memory_space<hbm>>) dst(%arg8 : memref<128x128xf32, #tpu.memory_space<vmem>>)
      %parallel_loop3A_112 = arith.constant 0 : i32
      %parallel_loop3A_113 = arith.constant 128 : i32
      %parallel_loop3A_114 = arith.constant 1 : i32
      scf.for %parallel_loop3A_176 = %parallel_loop3A_112 to %parallel_loop3A_113 step %parallel_loop3A_114  : i32 {
        %parallel_loop3A_177 = arith.index_cast %parallel_loop3A_176 : i32 to index
        %parallel_loop3A_178 = arith.constant 0 : index
        %parallel_loop3A_179 = tpu.vector_load %arg8[%parallel_loop3A_177, %parallel_loop3A_178] {strides = array<i32>} : memref<128x128xf32, #tpu.memory_space<vmem>>, vector<1x16xf32>,
        %parallel_loop3A_180 = vector.shape_cast %parallel_loop3A_179 : vector<1x16xf32> to vector<16xf32>
        %parallel_loop3A_181 = arith.constant 11.3137083 : f32
        %parallel_loop3A_182 = vector.broadcast %parallel_loop3A_181 : f32 to vector<16xf32>
        %parallel_loop3A_183 = arith.mulf %parallel_loop3A_180, %parallel_loop3A_182 : vector<16xf32>
        %parallel_loop3A_184 = arith.index_cast %parallel_loop3A_176 : i32 to index
        %parallel_loop3A_185 = arith.constant 0 : index
        %parallel_loop3A_186 = tpu.vector_load %arg8[%parallel_loop3A_184, %parallel_loop3A_185] {strides = array<i32>} : memref<128x128xf32, #tpu.memory_space<vmem>>, vector<1x16xf32>,
        %parallel_loop3A_187 = vector.shape_cast %parallel_loop3A_186 : vector<1x16xf32> to vector<16xf32>
        %parallel_loop3A_188 = vector.shape_cast %parallel_loop3A_183 : vector<16xf32> to vector<1x16xf32>
        tpu.vector_store %arg8[%parallel_loop3A_184, %parallel_loop3A_185], %parallel_loop3A_188 {strides = array<i32>} : memref<128x128xf32, #tpu.memory_space<vmem>>, vector<1x16xf32>,
        %parallel_loop3A_189 = arith.index_cast %parallel_loop3A_176 : i32 to index
        %parallel_loop3A_190 = arith.constant 16 : index
        %parallel_loop3A_191 = tpu.vector_load %arg8[%parallel_loop3A_189, %parallel_loop3A_190] {strides = array<i32>} : memref<128x128xf32, #tpu.memory_space<vmem>>, vector<1x16xf32>,
        %parallel_loop3A_192 = vector.shape_cast %parallel_loop3A_191 : vector<1x16xf32> to vector<16xf32>
        %parallel_loop3A_193 = arith.constant 11.3137083 : f32
        %parallel_loop3A_194 = vector.broadcast %parallel_loop3A_193 : f32 to vector<16xf32>
        %parallel_loop3A_195 = arith.mulf %parallel_loop3A_192, %parallel_loop3A_194 : vector<16xf32>
        %parallel_loop3A_196 = arith.index_cast %parallel_loop3A_176 : i32 to index
        %parallel_loop3A_197 = arith.constant 16 : index
        %parallel_loop3A_198 = tpu.vector_load %arg8[%parallel_loop3A_196, %parallel_loop3A_197] {strides = array<i32>} : memref<128x128xf32, #tpu.memory_space<vmem>>, vector<1x16xf32>,
        %parallel_loop3A_199 = vector.shape_cast %parallel_loop3A_198 : vector<1x16xf32> to vector<16xf32>
        %parallel_loop3A_200 = vector.shape_cast %parallel_loop3A_195 : vector<16xf32> to vector<1x16xf32>
        tpu.vector_store %arg8[%parallel_loop3A_196, %parallel_loop3A_197], %parallel_loop3A_200 {strides = array<i32>} : memref<128x128xf32, #tpu.memory_space<vmem>>, vector<1x16xf32>,
        %parallel_loop3A_201 = arith.index_cast %parallel_loop3A_176 : i32 to index
        %parallel_loop3A_202 = arith.constant 32 : index
        %parallel_loop3A_203 = tpu.vector_load %arg8[%parallel_loop3A_201, %parallel_loop3A_202] {strides = array<i32>} : memref<128x128xf32, #tpu.memory_space<vmem>>, vector<1x16xf32>,
        %parallel_loop3A_204 = vector.shape_cast %parallel_loop3A_203 : vector<1x16xf32> to vector<16xf32>
        %parallel_loop3A_205 = arith.constant 11.3137083 : f32
        %parallel_loop3A_206 = vector.broadcast %parallel_loop3A_205 : f32 to vector<16xf32>
        %parallel_loop3A_207 = arith.mulf %parallel_loop3A_204, %parallel_loop3A_206 : vector<16xf32>
        %parallel_loop3A_208 = arith.index_cast %parallel_loop3A_176 : i32 to index
        %parallel_loop3A_209 = arith.constant 32 : index
        %parallel_loop3A_210 = tpu.vector_load %arg8[%parallel_loop3A_208, %parallel_loop3A_209] {strides = array<i32>} : memref<128x128xf32, #tpu.memory_space<vmem>>, vector<1x16xf32>,
        %parallel_loop3A_211 = vector.shape_cast %parallel_loop3A_210 : vector<1x16xf32> to vector<16xf32>
        %parallel_loop3A_212 = vector.shape_cast %parallel_loop3A_207 : vector<16xf32> to vector<1x16xf32>
        tpu.vector_store %arg8[%parallel_loop3A_208, %parallel_loop3A_209], %parallel_loop3A_212 {strides = array<i32>} : memref<128x128xf32, #tpu.memory_space<vmem>>, vector<1x16xf32>,
        %parallel_loop3A_213 = arith.index_cast %parallel_loop3A_176 : i32 to index
        %parallel_loop3A_214 = arith.constant 48 : index
        %parallel_loop3A_215 = tpu.vector_load %arg8[%parallel_loop3A_213, %parallel_loop3A_214] {strides = array<i32>} : memref<128x128xf32, #tpu.memory_space<vmem>>, vector<1x16xf32>,
        %parallel_loop3A_216 = vector.shape_cast %parallel_loop3A_215 : vector<1x16xf32> to vector<16xf32>
        %parallel_loop3A_217 = arith.constant 11.3137083 : f32
        %parallel_loop3A_218 = vector.broadcast %parallel_loop3A_217 : f32 to vector<16xf32>
        %parallel_loop3A_219 = arith.mulf %parallel_loop3A_216, %parallel_loop3A_218 : vector<16xf32>
        %parallel_loop3A_220 = arith.index_cast %parallel_loop3A_176 : i32 to index
        %parallel_loop3A_221 = arith.constant 48 : index
        %parallel_loop3A_222 = tpu.vector_load %arg8[%parallel_loop3A_220, %parallel_loop3A_221] {strides = array<i32>} : memref<128x128xf32, #tpu.memory_space<vmem>>, vector<1x16xf32>,
        %parallel_loop3A_223 = vector.shape_cast %parallel_loop3A_222 : vector<1x16xf32> to vector<16xf32>
        %parallel_loop3A_224 = vector.shape_cast %parallel_loop3A_219 : vector<16xf32> to vector<1x16xf32>
        tpu.vector_store %arg8[%parallel_loop3A_220, %parallel_loop3A_221], %parallel_loop3A_224 {strides = array<i32>} : memref<128x128xf32, #tpu.memory_space<vmem>>, vector<1x16xf32>,
        %parallel_loop3A_225 = arith.index_cast %parallel_loop3A_176 : i32 to index
        %parallel_loop3A_226 = arith.constant 64 : index
        %parallel_loop3A_227 = tpu.vector_load %arg8[%parallel_loop3A_225, %parallel_loop3A_226] {strides = array<i32>} : memref<128x128xf32, #tpu.memory_space<vmem>>, vector<1x16xf32>,
        %parallel_loop3A_228 = vector.shape_cast %parallel_loop3A_227 : vector<1x16xf32> to vector<16xf32>
        %parallel_loop3A_229 = arith.constant 11.3137083 : f32
        %parallel_loop3A_230 = vector.broadcast %parallel_loop3A_229 : f32 to vector<16xf32>
        %parallel_loop3A_231 = arith.mulf %parallel_loop3A_228, %parallel_loop3A_230 : vector<16xf32>
        %parallel_loop3A_232 = arith.index_cast %parallel_loop3A_176 : i32 to index
        %parallel_loop3A_233 = arith.constant 64 : index
        %parallel_loop3A_234 = tpu.vector_load %arg8[%parallel_loop3A_232, %parallel_loop3A_233] {strides = array<i32>} : memref<128x128xf32, #tpu.memory_space<vmem>>, vector<1x16xf32>,
        %parallel_loop3A_235 = vector.shape_cast %parallel_loop3A_234 : vector<1x16xf32> to vector<16xf32>
        %parallel_loop3A_236 = vector.shape_cast %parallel_loop3A_231 : vector<16xf32> to vector<1x16xf32>
        tpu.vector_store %arg8[%parallel_loop3A_232, %parallel_loop3A_233], %parallel_loop3A_236 {strides = array<i32>} : memref<128x128xf32, #tpu.memory_space<vmem>>, vector<1x16xf32>,
        %parallel_loop3A_237 = arith.index_cast %parallel_loop3A_176 : i32 to index
        %parallel_loop3A_238 = arith.constant 80 : index
        %parallel_loop3A_239 = tpu.vector_load %arg8[%parallel_loop3A_237, %parallel_loop3A_238] {strides = array<i32>} : memref<128x128xf32, #tpu.memory_space<vmem>>, vector<1x16xf32>,
        %parallel_loop3A_240 = vector.shape_cast %parallel_loop3A_239 : vector<1x16xf32> to vector<16xf32>
        %parallel_loop3A_241 = arith.constant 11.3137083 : f32
        %parallel_loop3A_242 = vector.broadcast %parallel_loop3A_241 : f32 to vector<16xf32>
        %parallel_loop3A_243 = arith.mulf %parallel_loop3A_240, %parallel_loop3A_242 : vector<16xf32>
        %parallel_loop3A_244 = arith.index_cast %parallel_loop3A_176 : i32 to index
        %parallel_loop3A_245 = arith.constant 80 : index
        %parallel_loop3A_246 = tpu.vector_load %arg8[%parallel_loop3A_244, %parallel_loop3A_245] {strides = array<i32>} : memref<128x128xf32, #tpu.memory_space<vmem>>, vector<1x16xf32>,
        %parallel_loop3A_247 = vector.shape_cast %parallel_loop3A_246 : vector<1x16xf32> to vector<16xf32>
        %parallel_loop3A_248 = vector.shape_cast %parallel_loop3A_243 : vector<16xf32> to vector<1x16xf32>
        tpu.vector_store %arg8[%parallel_loop3A_244, %parallel_loop3A_245], %parallel_loop3A_248 {strides = array<i32>} : memref<128x128xf32, #tpu.memory_space<vmem>>, vector<1x16xf32>,
        %parallel_loop3A_249 = arith.index_cast %parallel_loop3A_176 : i32 to index
        %parallel_loop3A_250 = arith.constant 96 : index
        %parallel_loop3A_251 = tpu.vector_load %arg8[%parallel_loop3A_249, %parallel_loop3A_250] {strides = array<i32>} : memref<128x128xf32, #tpu.memory_space<vmem>>, vector<1x16xf32>,
        %parallel_loop3A_252 = vector.shape_cast %parallel_loop3A_251 : vector<1x16xf32> to vector<16xf32>
        %parallel_loop3A_253 = arith.constant 11.3137083 : f32
        %parallel_loop3A_254 = vector.broadcast %parallel_loop3A_253 : f32 to vector<16xf32>
        %parallel_loop3A_255 = arith.mulf %parallel_loop3A_252, %parallel_loop3A_254 : vector<16xf32>
        %parallel_loop3A_256 = arith.index_cast %parallel_loop3A_176 : i32 to index
        %parallel_loop3A_257 = arith.constant 96 : index
        %parallel_loop3A_258 = tpu.vector_load %arg8[%parallel_loop3A_256, %parallel_loop3A_257] {strides = array<i32>} : memref<128x128xf32, #tpu.memory_space<vmem>>, vector<1x16xf32>,
        %parallel_loop3A_259 = vector.shape_cast %parallel_loop3A_258 : vector<1x16xf32> to vector<16xf32>
        %parallel_loop3A_260 = vector.shape_cast %parallel_loop3A_255 : vector<16xf32> to vector<1x16xf32>
        tpu.vector_store %arg8[%parallel_loop3A_256, %parallel_loop3A_257], %parallel_loop3A_260 {strides = array<i32>} : memref<128x128xf32, #tpu.memory_space<vmem>>, vector<1x16xf32>,
        %parallel_loop3A_261 = arith.index_cast %parallel_loop3A_176 : i32 to index
        %parallel_loop3A_262 = arith.constant 112 : index
        %parallel_loop3A_263 = tpu.vector_load %arg8[%parallel_loop3A_261, %parallel_loop3A_262] {strides = array<i32>} : memref<128x128xf32, #tpu.memory_space<vmem>>, vector<1x16xf32>,
        %parallel_loop3A_264 = vector.shape_cast %parallel_loop3A_263 : vector<1x16xf32> to vector<16xf32>
        %parallel_loop3A_265 = arith.constant 11.3137083 : f32
        %parallel_loop3A_266 = vector.broadcast %parallel_loop3A_265 : f32 to vector<16xf32>
        %parallel_loop3A_267 = arith.mulf %parallel_loop3A_264, %parallel_loop3A_266 : vector<16xf32>
        %parallel_loop3A_268 = arith.index_cast %parallel_loop3A_176 : i32 to index
        %parallel_loop3A_269 = arith.constant 112 : index
        %parallel_loop3A_270 = tpu.vector_load %arg8[%parallel_loop3A_268, %parallel_loop3A_269] {strides = array<i32>} : memref<128x128xf32, #tpu.memory_space<vmem>>, vector<1x16xf32>,
        %parallel_loop3A_271 = vector.shape_cast %parallel_loop3A_270 : vector<1x16xf32> to vector<16xf32>
        %parallel_loop3A_272 = vector.shape_cast %parallel_loop3A_267 : vector<16xf32> to vector<1x16xf32>
        tpu.vector_store %arg8[%parallel_loop3A_268, %parallel_loop3A_269], %parallel_loop3A_272 {strides = array<i32>} : memref<128x128xf32, #tpu.memory_space<vmem>>, vector<1x16xf32>,
      } {sc.loop_unroll_factor = 4 : i64, sc.parallel_access}
      %mul3A_115 = arith.constant 128 : i32
      %mul3A_116 = arith.muli %add3A_98, %mul3A_115 : i32
      %add3A_117 = arith.addi %mul3A_2, %mul3A_116 : i32
      %dma_start3A_118 = arith.constant 0 : i32
      %dma_start3A_119 = tpu.memref_slice %arg4[%add3A_117, %dma_start3A_118] : memref<204800x128xf32, #tpu.memory_space<hbm>> -> memref<128x128xf32, #tpu.memory_space<hbm>>
      %dma_start3A_120 = arith.constant 0 : i32
      %dma_start3A_121 = tpu.memref_slice %arg4[%add3A_117, %dma_start3A_120] : memref<204800x128xf32, #tpu.memory_space<hbm>> -> memref<128x128xf32, #tpu.memory_space<hbm>>
      tpu.enqueue_dma source(%arg8 : memref<128x128xf32, #tpu.memory_space<vmem>>) target(%dma_start3A_121 : memref<128x128xf32, #tpu.memory_space<hbm>>) target_semaphore(%arg18 : memref<!tpu.dma_semaphore, #tpu.memory_space<semaphore_mem>>)
      %mul3A_122 = arith.constant 5 : i32
      %mul3A_123 = arith.muli %add3A_44, %mul3A_122 : i32
      %add3A_124 = arith.constant 3 : i32
      %add3A_125 = arith.addi %mul3A_123, %add3A_124 : i32
      %add3A_126 = arith.constant 3 : i32
      %add3A_127 = arith.addi %add3A_125, %add3A_126 : i32
      %lt3A_128 = arith.constant 50 : i32
      %lt3A_129 = arith.cmpi slt, %add3A_127, %lt3A_128 : i32
      %convert_element_type3A_130 = arith.extui %lt3A_129 : i1 to i32
      %cond3A_131 = arith.constant 0 : i32
      %cond3A_132 = arith.cmpi ne, %convert_element_type3A_130, %cond3A_131 : i32
      scf.if %cond3A_132 {
        %ge3A = arith.constant 5 : i32
        %ge3A_176 = arith.cmpi sge, %add3A_127, %ge3A : i32
        %convert_element_type3A_177 = arith.extui %ge3A_176 : i1 to i32
        %cond3A_178 = arith.constant 0 : i32
        %cond3A_179 = arith.cmpi ne, %convert_element_type3A_177, %cond3A_178 : i32
        scf.if %cond3A_179 {
          %dma_wait3A_186 = arith.constant 0 : i32
          %dma_wait3A_187 = tpu.memref_slice %arg4[%mul3A_2, %dma_wait3A_186] : memref<204800x128xf32, #tpu.memory_space<hbm>> -> memref<128x128xf32, #tpu.memory_space<hbm>>
          %dma_wait3A_188 = arith.constant 0 : i32
          %dma_wait3A_189 = tpu.memref_slice %arg4[%mul3A_2, %dma_wait3A_188] : memref<204800x128xf32, #tpu.memory_space<hbm>> -> memref<128x128xf32, #tpu.memory_space<hbm>>
          tpu.wait_dma2 semaphore(%arg17 : memref<!tpu.dma_semaphore, #tpu.memory_space<semaphore_mem>>) src(%arg7 : memref<128x128xf32, #tpu.memory_space<vmem>>) dst(%dma_wait3A_189 : memref<128x128xf32, #tpu.memory_space<hbm>>)
        } else {
        }
        %mul3A_180 = arith.constant 128 : i32
        %mul3A_181 = arith.muli %add3A_127, %mul3A_180 : i32
        %dma_start3A_182 = tpu.memref_slice %arg5[%mul3A_181] : memref<6400xi32, #tpu.memory_space<vmem>> -> memref<128xi32, #tpu.memory_space<vmem>>
        %dma_start3A_183 = arith.constant 0 : i32
        %dma_start3A_184 = arith.constant 0 : i32
        %dma_start3A_185 = tpu.memref_slice %arg3[%dma_start3A_183, %dma_start3A_184] : memref<100000x128xf32, #tpu.memory_space<hbm>> -> memref<100000x128xf32, #tpu.memory_space<hbm>>
        tpu.enqueue_indirect_dma source(%dma_start3A_185 : memref<100000x128xf32, #tpu.memory_space<hbm>>) target(%arg7 : memref<128x128xf32, #tpu.memory_space<vmem>>) offsets(%dma_start3A_182 : memref<128xi32, #tpu.memory_space<vmem>>) semaphore(%arg12 : memref<!tpu.dma_semaphore, #tpu.memory_space<semaphore_mem>>)
      } else {
      }
      %dma_wait3A_133 = arith.constant 0 : i32
      %dma_wait3A_134 = arith.constant 0 : i32
      %dma_wait3A_135 = tpu.memref_slice %arg3[%dma_wait3A_133, %dma_wait3A_134] : memref<100000x128xf32, #tpu.memory_space<hbm>> -> memref<128x128xf32, #tpu.memory_space<hbm>>
      %dma_wait3A_136 = arith.constant 0 : i32
      %dma_wait3A_137 = arith.constant 0 : i32
      %dma_wait3A_138 = tpu.memref_slice %arg3[%dma_wait3A_136, %dma_wait3A_137] : memref<100000x128xf32, #tpu.memory_space<hbm>> -> memref<128x128xf32, #tpu.memory_space<hbm>>
      tpu.wait_dma2 semaphore(%arg14 : memref<!tpu.dma_semaphore, #tpu.memory_space<semaphore_mem>>) src(%dma_wait3A_138 : memref<128x128xf32, #tpu.memory_space<hbm>>) dst(%arg9 : memref<128x128xf32, #tpu.memory_space<vmem>>)
      %parallel_loop3A_139 = arith.constant 0 : i32
      %parallel_loop3A_140 = arith.constant 128 : i32
      %parallel_loop3A_141 = arith.constant 1 : i32
      scf.for %parallel_loop3A_176 = %parallel_loop3A_139 to %parallel_loop3A_140 step %parallel_loop3A_141  : i32 {
        %parallel_loop3A_177 = arith.index_cast %parallel_loop3A_176 : i32 to index
        %parallel_loop3A_178 = arith.constant 0 : index
        %parallel_loop3A_179 = tpu.vector_load %arg9[%parallel_loop3A_177, %parallel_loop3A_178] {strides = array<i32>} : memref<128x128xf32, #tpu.memory_space<vmem>>, vector<1x16xf32>,
        %parallel_loop3A_180 = vector.shape_cast %parallel_loop3A_179 : vector<1x16xf32> to vector<16xf32>
        %parallel_loop3A_181 = arith.constant 11.3137083 : f32
        %parallel_loop3A_182 = vector.broadcast %parallel_loop3A_181 : f32 to vector<16xf32>
        %parallel_loop3A_183 = arith.mulf %parallel_loop3A_180, %parallel_loop3A_182 : vector<16xf32>
        %parallel_loop3A_184 = arith.index_cast %parallel_loop3A_176 : i32 to index
        %parallel_loop3A_185 = arith.constant 0 : index
        %parallel_loop3A_186 = tpu.vector_load %arg9[%parallel_loop3A_184, %parallel_loop3A_185] {strides = array<i32>} : memref<128x128xf32, #tpu.memory_space<vmem>>, vector<1x16xf32>,
        %parallel_loop3A_187 = vector.shape_cast %parallel_loop3A_186 : vector<1x16xf32> to vector<16xf32>
        %parallel_loop3A_188 = vector.shape_cast %parallel_loop3A_183 : vector<16xf32> to vector<1x16xf32>
        tpu.vector_store %arg9[%parallel_loop3A_184, %parallel_loop3A_185], %parallel_loop3A_188 {strides = array<i32>} : memref<128x128xf32, #tpu.memory_space<vmem>>, vector<1x16xf32>,
        %parallel_loop3A_189 = arith.index_cast %parallel_loop3A_176 : i32 to index
        %parallel_loop3A_190 = arith.constant 16 : index
        %parallel_loop3A_191 = tpu.vector_load %arg9[%parallel_loop3A_189, %parallel_loop3A_190] {strides = array<i32>} : memref<128x128xf32, #tpu.memory_space<vmem>>, vector<1x16xf32>,
        %parallel_loop3A_192 = vector.shape_cast %parallel_loop3A_191 : vector<1x16xf32> to vector<16xf32>
        %parallel_loop3A_193 = arith.constant 11.3137083 : f32
        %parallel_loop3A_194 = vector.broadcast %parallel_loop3A_193 : f32 to vector<16xf32>
        %parallel_loop3A_195 = arith.mulf %parallel_loop3A_192, %parallel_loop3A_194 : vector<16xf32>
        %parallel_loop3A_196 = arith.index_cast %parallel_loop3A_176 : i32 to index
        %parallel_loop3A_197 = arith.constant 16 : index
        %parallel_loop3A_198 = tpu.vector_load %arg9[%parallel_loop3A_196, %parallel_loop3A_197] {strides = array<i32>} : memref<128x128xf32, #tpu.memory_space<vmem>>, vector<1x16xf32>,
        %parallel_loop3A_199 = vector.shape_cast %parallel_loop3A_198 : vector<1x16xf32> to vector<16xf32>
        %parallel_loop3A_200 = vector.shape_cast %parallel_loop3A_195 : vector<16xf32> to vector<1x16xf32>
        tpu.vector_store %arg9[%parallel_loop3A_196, %parallel_loop3A_197], %parallel_loop3A_200 {strides = array<i32>} : memref<128x128xf32, #tpu.memory_space<vmem>>, vector<1x16xf32>,
        %parallel_loop3A_201 = arith.index_cast %parallel_loop3A_176 : i32 to index
        %parallel_loop3A_202 = arith.constant 32 : index
        %parallel_loop3A_203 = tpu.vector_load %arg9[%parallel_loop3A_201, %parallel_loop3A_202] {strides = array<i32>} : memref<128x128xf32, #tpu.memory_space<vmem>>, vector<1x16xf32>,
        %parallel_loop3A_204 = vector.shape_cast %parallel_loop3A_203 : vector<1x16xf32> to vector<16xf32>
        %parallel_loop3A_205 = arith.constant 11.3137083 : f32
        %parallel_loop3A_206 = vector.broadcast %parallel_loop3A_205 : f32 to vector<16xf32>
        %parallel_loop3A_207 = arith.mulf %parallel_loop3A_204, %parallel_loop3A_206 : vector<16xf32>
        %parallel_loop3A_208 = arith.index_cast %parallel_loop3A_176 : i32 to index
        %parallel_loop3A_209 = arith.constant 32 : index
        %parallel_loop3A_210 = tpu.vector_load %arg9[%parallel_loop3A_208, %parallel_loop3A_209] {strides = array<i32>} : memref<128x128xf32, #tpu.memory_space<vmem>>, vector<1x16xf32>,
        %parallel_loop3A_211 = vector.shape_cast %parallel_loop3A_210 : vector<1x16xf32> to vector<16xf32>
        %parallel_loop3A_212 = vector.shape_cast %parallel_loop3A_207 : vector<16xf32> to vector<1x16xf32>
        tpu.vector_store %arg9[%parallel_loop3A_208, %parallel_loop3A_209], %parallel_loop3A_212 {strides = array<i32>} : memref<128x128xf32, #tpu.memory_space<vmem>>, vector<1x16xf32>,
        %parallel_loop3A_213 = arith.index_cast %parallel_loop3A_176 : i32 to index
        %parallel_loop3A_214 = arith.constant 48 : index
        %parallel_loop3A_215 = tpu.vector_load %arg9[%parallel_loop3A_213, %parallel_loop3A_214] {strides = array<i32>} : memref<128x128xf32, #tpu.memory_space<vmem>>, vector<1x16xf32>,
        %parallel_loop3A_216 = vector.shape_cast %parallel_loop3A_215 : vector<1x16xf32> to vector<16xf32>
        %parallel_loop3A_217 = arith.constant 11.3137083 : f32
        %parallel_loop3A_218 = vector.broadcast %parallel_loop3A_217 : f32 to vector<16xf32>
        %parallel_loop3A_219 = arith.mulf %parallel_loop3A_216, %parallel_loop3A_218 : vector<16xf32>
        %parallel_loop3A_220 = arith.index_cast %parallel_loop3A_176 : i32 to index
        %parallel_loop3A_221 = arith.constant 48 : index
        %parallel_loop3A_222 = tpu.vector_load %arg9[%parallel_loop3A_220, %parallel_loop3A_221] {strides = array<i32>} : memref<128x128xf32, #tpu.memory_space<vmem>>, vector<1x16xf32>,
        %parallel_loop3A_223 = vector.shape_cast %parallel_loop3A_222 : vector<1x16xf32> to vector<16xf32>
        %parallel_loop3A_224 = vector.shape_cast %parallel_loop3A_219 : vector<16xf32> to vector<1x16xf32>
        tpu.vector_store %arg9[%parallel_loop3A_220, %parallel_loop3A_221], %parallel_loop3A_224 {strides = array<i32>} : memref<128x128xf32, #tpu.memory_space<vmem>>, vector<1x16xf32>,
        %parallel_loop3A_225 = arith.index_cast %parallel_loop3A_176 : i32 to index
        %parallel_loop3A_226 = arith.constant 64 : index
        %parallel_loop3A_227 = tpu.vector_load %arg9[%parallel_loop3A_225, %parallel_loop3A_226] {strides = array<i32>} : memref<128x128xf32, #tpu.memory_space<vmem>>, vector<1x16xf32>,
        %parallel_loop3A_228 = vector.shape_cast %parallel_loop3A_227 : vector<1x16xf32> to vector<16xf32>
        %parallel_loop3A_229 = arith.constant 11.3137083 : f32
        %parallel_loop3A_230 = vector.broadcast %parallel_loop3A_229 : f32 to vector<16xf32>
        %parallel_loop3A_231 = arith.mulf %parallel_loop3A_228, %parallel_loop3A_230 : vector<16xf32>
        %parallel_loop3A_232 = arith.index_cast %parallel_loop3A_176 : i32 to index
        %parallel_loop3A_233 = arith.constant 64 : index
        %parallel_loop3A_234 = tpu.vector_load %arg9[%parallel_loop3A_232, %parallel_loop3A_233] {strides = array<i32>} : memref<128x128xf32, #tpu.memory_space<vmem>>, vector<1x16xf32>,
        %parallel_loop3A_235 = vector.shape_cast %parallel_loop3A_234 : vector<1x16xf32> to vector<16xf32>
        %parallel_loop3A_236 = vector.shape_cast %parallel_loop3A_231 : vector<16xf32> to vector<1x16xf32>
        tpu.vector_store %arg9[%parallel_loop3A_232, %parallel_loop3A_233], %parallel_loop3A_236 {strides = array<i32>} : memref<128x128xf32, #tpu.memory_space<vmem>>, vector<1x16xf32>,
        %parallel_loop3A_237 = arith.index_cast %parallel_loop3A_176 : i32 to index
        %parallel_loop3A_238 = arith.constant 80 : index
        %parallel_loop3A_239 = tpu.vector_load %arg9[%parallel_loop3A_237, %parallel_loop3A_238] {strides = array<i32>} : memref<128x128xf32, #tpu.memory_space<vmem>>, vector<1x16xf32>,
        %parallel_loop3A_240 = vector.shape_cast %parallel_loop3A_239 : vector<1x16xf32> to vector<16xf32>
        %parallel_loop3A_241 = arith.constant 11.3137083 : f32
        %parallel_loop3A_242 = vector.broadcast %parallel_loop3A_241 : f32 to vector<16xf32>
        %parallel_loop3A_243 = arith.mulf %parallel_loop3A_240, %parallel_loop3A_242 : vector<16xf32>
        %parallel_loop3A_244 = arith.index_cast %parallel_loop3A_176 : i32 to index
        %parallel_loop3A_245 = arith.constant 80 : index
        %parallel_loop3A_246 = tpu.vector_load %arg9[%parallel_loop3A_244, %parallel_loop3A_245] {strides = array<i32>} : memref<128x128xf32, #tpu.memory_space<vmem>>, vector<1x16xf32>,
        %parallel_loop3A_247 = vector.shape_cast %parallel_loop3A_246 : vector<1x16xf32> to vector<16xf32>
        %parallel_loop3A_248 = vector.shape_cast %parallel_loop3A_243 : vector<16xf32> to vector<1x16xf32>
        tpu.vector_store %arg9[%parallel_loop3A_244, %parallel_loop3A_245], %parallel_loop3A_248 {strides = array<i32>} : memref<128x128xf32, #tpu.memory_space<vmem>>, vector<1x16xf32>,
        %parallel_loop3A_249 = arith.index_cast %parallel_loop3A_176 : i32 to index
        %parallel_loop3A_250 = arith.constant 96 : index
        %parallel_loop3A_251 = tpu.vector_load %arg9[%parallel_loop3A_249, %parallel_loop3A_250] {strides = array<i32>} : memref<128x128xf32, #tpu.memory_space<vmem>>, vector<1x16xf32>,
        %parallel_loop3A_252 = vector.shape_cast %parallel_loop3A_251 : vector<1x16xf32> to vector<16xf32>
        %parallel_loop3A_253 = arith.constant 11.3137083 : f32
        %parallel_loop3A_254 = vector.broadcast %parallel_loop3A_253 : f32 to vector<16xf32>
        %parallel_loop3A_255 = arith.mulf %parallel_loop3A_252, %parallel_loop3A_254 : vector<16xf32>
        %parallel_loop3A_256 = arith.index_cast %parallel_loop3A_176 : i32 to index
        %parallel_loop3A_257 = arith.constant 96 : index
        %parallel_loop3A_258 = tpu.vector_load %arg9[%parallel_loop3A_256, %parallel_loop3A_257] {strides = array<i32>} : memref<128x128xf32, #tpu.memory_space<vmem>>, vector<1x16xf32>,
        %parallel_loop3A_259 = vector.shape_cast %parallel_loop3A_258 : vector<1x16xf32> to vector<16xf32>
        %parallel_loop3A_260 = vector.shape_cast %parallel_loop3A_255 : vector<16xf32> to vector<1x16xf32>
        tpu.vector_store %arg9[%parallel_loop3A_256, %parallel_loop3A_257], %parallel_loop3A_260 {strides = array<i32>} : memref<128x128xf32, #tpu.memory_space<vmem>>, vector<1x16xf32>,
        %parallel_loop3A_261 = arith.index_cast %parallel_loop3A_176 : i32 to index
        %parallel_loop3A_262 = arith.constant 112 : index
        %parallel_loop3A_263 = tpu.vector_load %arg9[%parallel_loop3A_261, %parallel_loop3A_262] {strides = array<i32>} : memref<128x128xf32, #tpu.memory_space<vmem>>, vector<1x16xf32>,
        %parallel_loop3A_264 = vector.shape_cast %parallel_loop3A_263 : vector<1x16xf32> to vector<16xf32>
        %parallel_loop3A_265 = arith.constant 11.3137083 : f32
        %parallel_loop3A_266 = vector.broadcast %parallel_loop3A_265 : f32 to vector<16xf32>
        %parallel_loop3A_267 = arith.mulf %parallel_loop3A_264, %parallel_loop3A_266 : vector<16xf32>
        %parallel_loop3A_268 = arith.index_cast %parallel_loop3A_176 : i32 to index
        %parallel_loop3A_269 = arith.constant 112 : index
        %parallel_loop3A_270 = tpu.vector_load %arg9[%parallel_loop3A_268, %parallel_loop3A_269] {strides = array<i32>} : memref<128x128xf32, #tpu.memory_space<vmem>>, vector<1x16xf32>,
        %parallel_loop3A_271 = vector.shape_cast %parallel_loop3A_270 : vector<1x16xf32> to vector<16xf32>
        %parallel_loop3A_272 = vector.shape_cast %parallel_loop3A_267 : vector<16xf32> to vector<1x16xf32>
        tpu.vector_store %arg9[%parallel_loop3A_268, %parallel_loop3A_269], %parallel_loop3A_272 {strides = array<i32>} : memref<128x128xf32, #tpu.memory_space<vmem>>, vector<1x16xf32>,
      } {sc.loop_unroll_factor = 4 : i64, sc.parallel_access}
      %mul3A_142 = arith.constant 128 : i32
      %mul3A_143 = arith.muli %add3A_125, %mul3A_142 : i32
      %add3A_144 = arith.addi %mul3A_2, %mul3A_143 : i32
      %dma_start3A_145 = arith.constant 0 : i32
      %dma_start3A_146 = tpu.memref_slice %arg4[%add3A_144, %dma_start3A_145] : memref<204800x128xf32, #tpu.memory_space<hbm>> -> memref<128x128xf32, #tpu.memory_space<hbm>>
      %dma_start3A_147 = arith.constant 0 : i32
      %dma_start3A_148 = tpu.memref_slice %arg4[%add3A_144, %dma_start3A_147] : memref<204800x128xf32, #tpu.memory_space<hbm>> -> memref<128x128xf32, #tpu.memory_space<hbm>>
      tpu.enqueue_dma source(%arg9 : memref<128x128xf32, #tpu.memory_space<vmem>>) target(%dma_start3A_148 : memref<128x128xf32, #tpu.memory_space<hbm>>) target_semaphore(%arg19 : memref<!tpu.dma_semaphore, #tpu.memory_space<semaphore_mem>>)
      %mul3A_149 = arith.constant 5 : i32
      %mul3A_150 = arith.muli %add3A_44, %mul3A_149 : i32
      %add3A_151 = arith.constant 4 : i32
      %add3A_152 = arith.addi %mul3A_150, %add3A_151 : i32
      %add3A_153 = arith.constant 3 : i32
      %add3A_154 = arith.addi %add3A_152, %add3A_153 : i32
      %lt3A_155 = arith.constant 50 : i32
      %lt3A_156 = arith.cmpi slt, %add3A_154, %lt3A_155 : i32
      %convert_element_type3A_157 = arith.extui %lt3A_156 : i1 to i32
      %cond3A_158 = arith.constant 0 : i32
      %cond3A_159 = arith.cmpi ne, %convert_element_type3A_157, %cond3A_158 : i32
      scf.if %cond3A_159 {
        %ge3A = arith.constant 5 : i32
        %ge3A_176 = arith.cmpi sge, %add3A_154, %ge3A : i32
        %convert_element_type3A_177 = arith.extui %ge3A_176 : i1 to i32
        %cond3A_178 = arith.constant 0 : i32
        %cond3A_179 = arith.cmpi ne, %convert_element_type3A_177, %cond3A_178 : i32
        scf.if %cond3A_179 {
          %dma_wait3A_186 = arith.constant 0 : i32
          %dma_wait3A_187 = tpu.memref_slice %arg4[%mul3A_2, %dma_wait3A_186] : memref<204800x128xf32, #tpu.memory_space<hbm>> -> memref<128x128xf32, #tpu.memory_space<hbm>>
          %dma_wait3A_188 = arith.constant 0 : i32
          %dma_wait3A_189 = tpu.memref_slice %arg4[%mul3A_2, %dma_wait3A_188] : memref<204800x128xf32, #tpu.memory_space<hbm>> -> memref<128x128xf32, #tpu.memory_space<hbm>>
          tpu.wait_dma2 semaphore(%arg18 : memref<!tpu.dma_semaphore, #tpu.memory_space<semaphore_mem>>) src(%arg8 : memref<128x128xf32, #tpu.memory_space<vmem>>) dst(%dma_wait3A_189 : memref<128x128xf32, #tpu.memory_space<hbm>>)
        } else {
        }
        %mul3A_180 = arith.constant 128 : i32
        %mul3A_181 = arith.muli %add3A_154, %mul3A_180 : i32
        %dma_start3A_182 = tpu.memref_slice %arg5[%mul3A_181] : memref<6400xi32, #tpu.memory_space<vmem>> -> memref<128xi32, #tpu.memory_space<vmem>>
        %dma_start3A_183 = arith.constant 0 : i32
        %dma_start3A_184 = arith.constant 0 : i32
        %dma_start3A_185 = tpu.memref_slice %arg3[%dma_start3A_183, %dma_start3A_184] : memref<100000x128xf32, #tpu.memory_space<hbm>> -> memref<100000x128xf32, #tpu.memory_space<hbm>>
        tpu.enqueue_indirect_dma source(%dma_start3A_185 : memref<100000x128xf32, #tpu.memory_space<hbm>>) target(%arg8 : memref<128x128xf32, #tpu.memory_space<vmem>>) offsets(%dma_start3A_182 : memref<128xi32, #tpu.memory_space<vmem>>) semaphore(%arg13 : memref<!tpu.dma_semaphore, #tpu.memory_space<semaphore_mem>>)
      } else {
      }
      %dma_wait3A_160 = arith.constant 0 : i32
      %dma_wait3A_161 = arith.constant 0 : i32
      %dma_wait3A_162 = tpu.memref_slice %arg3[%dma_wait3A_160, %dma_wait3A_161] : memref<100000x128xf32, #tpu.memory_space<hbm>> -> memref<128x128xf32, #tpu.memory_space<hbm>>
      %dma_wait3A_163 = arith.constant 0 : i32
      %dma_wait3A_164 = arith.constant 0 : i32
      %dma_wait3A_165 = tpu.memref_slice %arg3[%dma_wait3A_163, %dma_wait3A_164] : memref<100000x128xf32, #tpu.memory_space<hbm>> -> memref<128x128xf32, #tpu.memory_space<hbm>>
      tpu.wait_dma2 semaphore(%arg15 : memref<!tpu.dma_semaphore, #tpu.memory_space<semaphore_mem>>) src(%dma_wait3A_165 : memref<128x128xf32, #tpu.memory_space<hbm>>) dst(%arg10 : memref<128x128xf32, #tpu.memory_space<vmem>>)
      %parallel_loop3A_166 = arith.constant 0 : i32
      %parallel_loop3A_167 = arith.constant 128 : i32
      %parallel_loop3A_168 = arith.constant 1 : i32
      scf.for %parallel_loop3A_176 = %parallel_loop3A_166 to %parallel_loop3A_167 step %parallel_loop3A_168  : i32 {
        %parallel_loop3A_177 = arith.index_cast %parallel_loop3A_176 : i32 to index
        %parallel_loop3A_178 = arith.constant 0 : index
        %parallel_loop3A_179 = tpu.vector_load %arg10[%parallel_loop3A_177, %parallel_loop3A_178] {strides = array<i32>} : memref<128x128xf32, #tpu.memory_space<vmem>>, vector<1x16xf32>,
        %parallel_loop3A_180 = vector.shape_cast %parallel_loop3A_179 : vector<1x16xf32> to vector<16xf32>
        %parallel_loop3A_181 = arith.constant 11.3137083 : f32
        %parallel_loop3A_182 = vector.broadcast %parallel_loop3A_181 : f32 to vector<16xf32>
        %parallel_loop3A_183 = arith.mulf %parallel_loop3A_180, %parallel_loop3A_182 : vector<16xf32>
        %parallel_loop3A_184 = arith.index_cast %parallel_loop3A_176 : i32 to index
        %parallel_loop3A_185 = arith.constant 0 : index
        %parallel_loop3A_186 = tpu.vector_load %arg10[%parallel_loop3A_184, %parallel_loop3A_185] {strides = array<i32>} : memref<128x128xf32, #tpu.memory_space<vmem>>, vector<1x16xf32>,
        %parallel_loop3A_187 = vector.shape_cast %parallel_loop3A_186 : vector<1x16xf32> to vector<16xf32>
        %parallel_loop3A_188 = vector.shape_cast %parallel_loop3A_183 : vector<16xf32> to vector<1x16xf32>
        tpu.vector_store %arg10[%parallel_loop3A_184, %parallel_loop3A_185], %parallel_loop3A_188 {strides = array<i32>} : memref<128x128xf32, #tpu.memory_space<vmem>>, vector<1x16xf32>,
        %parallel_loop3A_189 = arith.index_cast %parallel_loop3A_176 : i32 to index
        %parallel_loop3A_190 = arith.constant 16 : index
        %parallel_loop3A_191 = tpu.vector_load %arg10[%parallel_loop3A_189, %parallel_loop3A_190] {strides = array<i32>} : memref<128x128xf32, #tpu.memory_space<vmem>>, vector<1x16xf32>,
        %parallel_loop3A_192 = vector.shape_cast %parallel_loop3A_191 : vector<1x16xf32> to vector<16xf32>
        %parallel_loop3A_193 = arith.constant 11.3137083 : f32
        %parallel_loop3A_194 = vector.broadcast %parallel_loop3A_193 : f32 to vector<16xf32>
        %parallel_loop3A_195 = arith.mulf %parallel_loop3A_192, %parallel_loop3A_194 : vector<16xf32>
        %parallel_loop3A_196 = arith.index_cast %parallel_loop3A_176 : i32 to index
        %parallel_loop3A_197 = arith.constant 16 : index
        %parallel_loop3A_198 = tpu.vector_load %arg10[%parallel_loop3A_196, %parallel_loop3A_197] {strides = array<i32>} : memref<128x128xf32, #tpu.memory_space<vmem>>, vector<1x16xf32>,
        %parallel_loop3A_199 = vector.shape_cast %parallel_loop3A_198 : vector<1x16xf32> to vector<16xf32>
        %parallel_loop3A_200 = vector.shape_cast %parallel_loop3A_195 : vector<16xf32> to vector<1x16xf32>
        tpu.vector_store %arg10[%parallel_loop3A_196, %parallel_loop3A_197], %parallel_loop3A_200 {strides = array<i32>} : memref<128x128xf32, #tpu.memory_space<vmem>>, vector<1x16xf32>,
        %parallel_loop3A_201 = arith.index_cast %parallel_loop3A_176 : i32 to index
        %parallel_loop3A_202 = arith.constant 32 : index
        %parallel_loop3A_203 = tpu.vector_load %arg10[%parallel_loop3A_201, %parallel_loop3A_202] {strides = array<i32>} : memref<128x128xf32, #tpu.memory_space<vmem>>, vector<1x16xf32>,
        %parallel_loop3A_204 = vector.shape_cast %parallel_loop3A_203 : vector<1x16xf32> to vector<16xf32>
        %parallel_loop3A_205 = arith.constant 11.3137083 : f32
        %parallel_loop3A_206 = vector.broadcast %parallel_loop3A_205 : f32 to vector<16xf32>
        %parallel_loop3A_207 = arith.mulf %parallel_loop3A_204, %parallel_loop3A_206 : vector<16xf32>
        %parallel_loop3A_208 = arith.index_cast %parallel_loop3A_176 : i32 to index
        %parallel_loop3A_209 = arith.constant 32 : index
        %parallel_loop3A_210 = tpu.vector_load %arg10[%parallel_loop3A_208, %parallel_loop3A_209] {strides = array<i32>} : memref<128x128xf32, #tpu.memory_space<vmem>>, vector<1x16xf32>,
        %parallel_loop3A_211 = vector.shape_cast %parallel_loop3A_210 : vector<1x16xf32> to vector<16xf32>
        %parallel_loop3A_212 = vector.shape_cast %parallel_loop3A_207 : vector<16xf32> to vector<1x16xf32>
        tpu.vector_store %arg10[%parallel_loop3A_208, %parallel_loop3A_209], %parallel_loop3A_212 {strides = array<i32>} : memref<128x128xf32, #tpu.memory_space<vmem>>, vector<1x16xf32>,
        %parallel_loop3A_213 = arith.index_cast %parallel_loop3A_176 : i32 to index
        %parallel_loop3A_214 = arith.constant 48 : index
        %parallel_loop3A_215 = tpu.vector_load %arg10[%parallel_loop3A_213, %parallel_loop3A_214] {strides = array<i32>} : memref<128x128xf32, #tpu.memory_space<vmem>>, vector<1x16xf32>,
        %parallel_loop3A_216 = vector.shape_cast %parallel_loop3A_215 : vector<1x16xf32> to vector<16xf32>
        %parallel_loop3A_217 = arith.constant 11.3137083 : f32
        %parallel_loop3A_218 = vector.broadcast %parallel_loop3A_217 : f32 to vector<16xf32>
        %parallel_loop3A_219 = arith.mulf %parallel_loop3A_216, %parallel_loop3A_218 : vector<16xf32>
        %parallel_loop3A_220 = arith.index_cast %parallel_loop3A_176 : i32 to index
        %parallel_loop3A_221 = arith.constant 48 : index
        %parallel_loop3A_222 = tpu.vector_load %arg10[%parallel_loop3A_220, %parallel_loop3A_221] {strides = array<i32>} : memref<128x128xf32, #tpu.memory_space<vmem>>, vector<1x16xf32>,
        %parallel_loop3A_223 = vector.shape_cast %parallel_loop3A_222 : vector<1x16xf32> to vector<16xf32>
        %parallel_loop3A_224 = vector.shape_cast %parallel_loop3A_219 : vector<16xf32> to vector<1x16xf32>
        tpu.vector_store %arg10[%parallel_loop3A_220, %parallel_loop3A_221], %parallel_loop3A_224 {strides = array<i32>} : memref<128x128xf32, #tpu.memory_space<vmem>>, vector<1x16xf32>,
        %parallel_loop3A_225 = arith.index_cast %parallel_loop3A_176 : i32 to index
        %parallel_loop3A_226 = arith.constant 64 : index
        %parallel_loop3A_227 = tpu.vector_load %arg10[%parallel_loop3A_225, %parallel_loop3A_226] {strides = array<i32>} : memref<128x128xf32, #tpu.memory_space<vmem>>, vector<1x16xf32>,
        %parallel_loop3A_228 = vector.shape_cast %parallel_loop3A_227 : vector<1x16xf32> to vector<16xf32>
        %parallel_loop3A_229 = arith.constant 11.3137083 : f32
        %parallel_loop3A_230 = vector.broadcast %parallel_loop3A_229 : f32 to vector<16xf32>
        %parallel_loop3A_231 = arith.mulf %parallel_loop3A_228, %parallel_loop3A_230 : vector<16xf32>
        %parallel_loop3A_232 = arith.index_cast %parallel_loop3A_176 : i32 to index
        %parallel_loop3A_233 = arith.constant 64 : index
        %parallel_loop3A_234 = tpu.vector_load %arg10[%parallel_loop3A_232, %parallel_loop3A_233] {strides = array<i32>} : memref<128x128xf32, #tpu.memory_space<vmem>>, vector<1x16xf32>,
        %parallel_loop3A_235 = vector.shape_cast %parallel_loop3A_234 : vector<1x16xf32> to vector<16xf32>
        %parallel_loop3A_236 = vector.shape_cast %parallel_loop3A_231 : vector<16xf32> to vector<1x16xf32>
        tpu.vector_store %arg10[%parallel_loop3A_232, %parallel_loop3A_233], %parallel_loop3A_236 {strides = array<i32>} : memref<128x128xf32, #tpu.memory_space<vmem>>, vector<1x16xf32>,
        %parallel_loop3A_237 = arith.index_cast %parallel_loop3A_176 : i32 to index
        %parallel_loop3A_238 = arith.constant 80 : index
        %parallel_loop3A_239 = tpu.vector_load %arg10[%parallel_loop3A_237, %parallel_loop3A_238] {strides = array<i32>} : memref<128x128xf32, #tpu.memory_space<vmem>>, vector<1x16xf32>,
        %parallel_loop3A_240 = vector.shape_cast %parallel_loop3A_239 : vector<1x16xf32> to vector<16xf32>
        %parallel_loop3A_241 = arith.constant 11.3137083 : f32
        %parallel_loop3A_242 = vector.broadcast %parallel_loop3A_241 : f32 to vector<16xf32>
        %parallel_loop3A_243 = arith.mulf %parallel_loop3A_240, %parallel_loop3A_242 : vector<16xf32>
        %parallel_loop3A_244 = arith.index_cast %parallel_loop3A_176 : i32 to index
        %parallel_loop3A_245 = arith.constant 80 : index
        %parallel_loop3A_246 = tpu.vector_load %arg10[%parallel_loop3A_244, %parallel_loop3A_245] {strides = array<i32>} : memref<128x128xf32, #tpu.memory_space<vmem>>, vector<1x16xf32>,
        %parallel_loop3A_247 = vector.shape_cast %parallel_loop3A_246 : vector<1x16xf32> to vector<16xf32>
        %parallel_loop3A_248 = vector.shape_cast %parallel_loop3A_243 : vector<16xf32> to vector<1x16xf32>
        tpu.vector_store %arg10[%parallel_loop3A_244, %parallel_loop3A_245], %parallel_loop3A_248 {strides = array<i32>} : memref<128x128xf32, #tpu.memory_space<vmem>>, vector<1x16xf32>,
        %parallel_loop3A_249 = arith.index_cast %parallel_loop3A_176 : i32 to index
        %parallel_loop3A_250 = arith.constant 96 : index
        %parallel_loop3A_251 = tpu.vector_load %arg10[%parallel_loop3A_249, %parallel_loop3A_250] {strides = array<i32>} : memref<128x128xf32, #tpu.memory_space<vmem>>, vector<1x16xf32>,
        %parallel_loop3A_252 = vector.shape_cast %parallel_loop3A_251 : vector<1x16xf32> to vector<16xf32>
        %parallel_loop3A_253 = arith.constant 11.3137083 : f32
        %parallel_loop3A_254 = vector.broadcast %parallel_loop3A_253 : f32 to vector<16xf32>
        %parallel_loop3A_255 = arith.mulf %parallel_loop3A_252, %parallel_loop3A_254 : vector<16xf32>
        %parallel_loop3A_256 = arith.index_cast %parallel_loop3A_176 : i32 to index
        %parallel_loop3A_257 = arith.constant 96 : index
        %parallel_loop3A_258 = tpu.vector_load %arg10[%parallel_loop3A_256, %parallel_loop3A_257] {strides = array<i32>} : memref<128x128xf32, #tpu.memory_space<vmem>>, vector<1x16xf32>,
        %parallel_loop3A_259 = vector.shape_cast %parallel_loop3A_258 : vector<1x16xf32> to vector<16xf32>
        %parallel_loop3A_260 = vector.shape_cast %parallel_loop3A_255 : vector<16xf32> to vector<1x16xf32>
        tpu.vector_store %arg10[%parallel_loop3A_256, %parallel_loop3A_257], %parallel_loop3A_260 {strides = array<i32>} : memref<128x128xf32, #tpu.memory_space<vmem>>, vector<1x16xf32>,
        %parallel_loop3A_261 = arith.index_cast %parallel_loop3A_176 : i32 to index
        %parallel_loop3A_262 = arith.constant 112 : index
        %parallel_loop3A_263 = tpu.vector_load %arg10[%parallel_loop3A_261, %parallel_loop3A_262] {strides = array<i32>} : memref<128x128xf32, #tpu.memory_space<vmem>>, vector<1x16xf32>,
        %parallel_loop3A_264 = vector.shape_cast %parallel_loop3A_263 : vector<1x16xf32> to vector<16xf32>
        %parallel_loop3A_265 = arith.constant 11.3137083 : f32
        %parallel_loop3A_266 = vector.broadcast %parallel_loop3A_265 : f32 to vector<16xf32>
        %parallel_loop3A_267 = arith.mulf %parallel_loop3A_264, %parallel_loop3A_266 : vector<16xf32>
        %parallel_loop3A_268 = arith.index_cast %parallel_loop3A_176 : i32 to index
        %parallel_loop3A_269 = arith.constant 112 : index
        %parallel_loop3A_270 = tpu.vector_load %arg10[%parallel_loop3A_268, %parallel_loop3A_269] {strides = array<i32>} : memref<128x128xf32, #tpu.memory_space<vmem>>, vector<1x16xf32>,
        %parallel_loop3A_271 = vector.shape_cast %parallel_loop3A_270 : vector<1x16xf32> to vector<16xf32>
        %parallel_loop3A_272 = vector.shape_cast %parallel_loop3A_267 : vector<16xf32> to vector<1x16xf32>
        tpu.vector_store %arg10[%parallel_loop3A_268, %parallel_loop3A_269], %parallel_loop3A_272 {strides = array<i32>} : memref<128x128xf32, #tpu.memory_space<vmem>>, vector<1x16xf32>,
      } {sc.loop_unroll_factor = 4 : i64, sc.parallel_access}
      %mul3A_169 = arith.constant 128 : i32
      %mul3A_170 = arith.muli %add3A_152, %mul3A_169 : i32
      %add3A_171 = arith.addi %mul3A_2, %mul3A_170 : i32
      %dma_start3A_172 = arith.constant 0 : i32
      %dma_start3A_173 = tpu.memref_slice %arg4[%add3A_171, %dma_start3A_172] : memref<204800x128xf32, #tpu.memory_space<hbm>> -> memref<128x128xf32, #tpu.memory_space<hbm>>
      %dma_start3A_174 = arith.constant 0 : i32
      %dma_start3A_175 = tpu.memref_slice %arg4[%add3A_171, %dma_start3A_174] : memref<204800x128xf32, #tpu.memory_space<hbm>> -> memref<128x128xf32, #tpu.memory_space<hbm>>
      tpu.enqueue_dma source(%arg10 : memref<128x128xf32, #tpu.memory_space<vmem>>) target(%dma_start3A_175 : memref<128x128xf32, #tpu.memory_space<hbm>>) target_semaphore(%arg20 : memref<!tpu.dma_semaphore, #tpu.memory_space<semaphore_mem>>)
    }
    %scan3A_20 = arith.constant 10 : i32
    %dma_wait3A = arith.constant 0 : i32
    %dma_wait3A_21 = tpu.memref_slice %arg4[%mul3A_2, %dma_wait3A] : memref<204800x128xf32, #tpu.memory_space<hbm>> -> memref<128x128xf32, #tpu.memory_space<hbm>>
    %dma_wait3A_22 = arith.constant 0 : i32
    %dma_wait3A_23 = tpu.memref_slice %arg4[%mul3A_2, %dma_wait3A_22] : memref<204800x128xf32, #tpu.memory_space<hbm>> -> memref<128x128xf32, #tpu.memory_space<hbm>>
    tpu.wait_dma2 semaphore(%arg16 : memref<!tpu.dma_semaphore, #tpu.memory_space<semaphore_mem>>) src(%arg6 : memref<128x128xf32, #tpu.memory_space<vmem>>) dst(%dma_wait3A_23 : memref<128x128xf32, #tpu.memory_space<hbm>>)
    %dma_wait3A_24 = arith.constant 0 : i32
    %dma_wait3A_25 = tpu.memref_slice %arg4[%mul3A_2, %dma_wait3A_24] : memref<204800x128xf32, #tpu.memory_space<hbm>> -> memref<128x128xf32, #tpu.memory_space<hbm>>
    %dma_wait3A_26 = arith.constant 0 : i32
    %dma_wait3A_27 = tpu.memref_slice %arg4[%mul3A_2, %dma_wait3A_26] : memref<204800x128xf32, #tpu.memory_space<hbm>> -> memref<128x128xf32, #tpu.memory_space<hbm>>
    tpu.wait_dma2 semaphore(%arg17 : memref<!tpu.dma_semaphore, #tpu.memory_space<semaphore_mem>>) src(%arg7 : memref<128x128xf32, #tpu.memory_space<vmem>>) dst(%dma_wait3A_27 : memref<128x128xf32, #tpu.memory_space<hbm>>)
    %dma_wait3A_28 = arith.constant 0 : i32
    %dma_wait3A_29 = tpu.memref_slice %arg4[%mul3A_2, %dma_wait3A_28] : memref<204800x128xf32, #tpu.memory_space<hbm>> -> memref<128x128xf32, #tpu.memory_space<hbm>>
    %dma_wait3A_30 = arith.constant 0 : i32
    %dma_wait3A_31 = tpu.memref_slice %arg4[%mul3A_2, %dma_wait3A_30] : memref<204800x128xf32, #tpu.memory_space<hbm>> -> memref<128x128xf32, #tpu.memory_space<hbm>>
    tpu.wait_dma2 semaphore(%arg18 : memref<!tpu.dma_semaphore, #tpu.memory_space<semaphore_mem>>) src(%arg8 : memref<128x128xf32, #tpu.memory_space<vmem>>) dst(%dma_wait3A_31 : memref<128x128xf32, #tpu.memory_space<hbm>>)
    %dma_wait3A_32 = arith.constant 0 : i32
    %dma_wait3A_33 = tpu.memref_slice %arg4[%mul3A_2, %dma_wait3A_32] : memref<204800x128xf32, #tpu.memory_space<hbm>> -> memref<128x128xf32, #tpu.memory_space<hbm>>
    %dma_wait3A_34 = arith.constant 0 : i32
    %dma_wait3A_35 = tpu.memref_slice %arg4[%mul3A_2, %dma_wait3A_34] : memref<204800x128xf32, #tpu.memory_space<hbm>> -> memref<128x128xf32, #tpu.memory_space<hbm>>
    tpu.wait_dma2 semaphore(%arg19 : memref<!tpu.dma_semaphore, #tpu.memory_space<semaphore_mem>>) src(%arg9 : memref<128x128xf32, #tpu.memory_space<vmem>>) dst(%dma_wait3A_35 : memref<128x128xf32, #tpu.memory_space<hbm>>)
    %dma_wait3A_36 = arith.constant 0 : i32
    %dma_wait3A_37 = tpu.memref_slice %arg4[%mul3A_2, %dma_wait3A_36] : memref<204800x128xf32, #tpu.memory_space<hbm>> -> memref<128x128xf32, #tpu.memory_space<hbm>>
    %dma_wait3A_38 = arith.constant 0 : i32
    %dma_wait3A_39 = tpu.memref_slice %arg4[%mul3A_2, %dma_wait3A_38] : memref<204800x128xf32, #tpu.memory_space<hbm>> -> memref<128x128xf32, #tpu.memory_space<hbm>>
    tpu.wait_dma2 semaphore(%arg20 : memref<!tpu.dma_semaphore, #tpu.memory_space<semaphore_mem>>) src(%arg10 : memref<128x128xf32, #tpu.memory_space<vmem>>) dst(%dma_wait3A_39 : memref<128x128xf32, #tpu.memory_space<hbm>>)
    return
  }
}

</mosaic_0001>

<sc_bundles>
// kernel: _voc_embed.3.cloned.1.call-start
scs
__scs_entry_jumppad:
0x0: {  	(pc) =	sbr.rel $0x88, $3  }
0x1: {  	(tag) =	ssettag $0x0;
	lr =	simm.s32 $0x1  }
0x2: {  	[smem:$0x3F9F] =	sst lr;
	_ =	strace $0xD0000000  }
0x3: {  	_ = 	snop  }
0x4: {  	_ = 	snop  }
0x5: {  	_ = 	snop  }
0x6: {  	_ = 	snop  }
0x7: {  	_ = 	snop  }
__scs_overlays_trampoline_lowered:
0x8: {  	[smem:$0x3FAE] =	sst s0  }
0x9: {  	[smem:$0x3FAF] =	sst s1  }
0xa: {  	[smem:$0x3FB0] =	sst s2  }
0xb: {  	[smem:$0x3FB1] =	sst s3  }
0xc: {  	[smem:$0x3FB2] =	sst s4  }
0xd: {  	[smem:$0x3FB3] =	sst s5  }
0xe: {  	[smem:$0x3FB4] =	sst s6  }
0xf: {  	[smem:$0x3FB5] =	sst s7  }
0x10: {  	[smem:$0x3FB6] =	sst s8  }
0x11: {  	[smem:$0x3FB7] =	sst s9;
	s0 =	simm.s32 @!p0 $0x0  }
0x12: {  	s1 =	sld [smem:$0x3F9D];
	s0 =	simm.s32 @p0 $0x1  }
0x13: {  	[smem:$0x3FB8] =	sst s0;
	s0 =	simm.s32 @!p1 $0x0  }
0x14: {  	s2 =	sld [smem:$0x3F9C];
	s0 =	simm.s32 @p1 $0x1  }
0x15: {  	[smem:$0x3FB9] =	sst s0;
	s0 =	simm.s32 @!p2 $0x0  }
0x16: {  	s3 =	sld [smem:$0x3FDB];
	s0 =	simm.s32 @p2 $0x1  }
0x17: {  	s4 =	simm.s32 $0x1BF5;
	[smem:$0x3FBB] =	sst s0  }
0x18: {  	s0 =	sld [smem:$0x3F9E];
	_ =	swait.ge [sflag:s4], $0x0  }
0x19: {  	s7 =	sld [smem:$0x3F9F]  }
0x1a: {  	s8 =	sadd.s32 $0xFFFFE003, lr  }
0x1b: {  	s9 =	sadd.s32 $0xFFFFFEF7, lr;
	s5 =	simm.s32 $0xFFFFFFFF;
	p2 =	slt.u32 s8, $0xFFFFF086  }
0x1c: {  	p1 =	slt.u32 s9, $0xF7A;
	s5 =	simm.s32 @!p2 $0x0  }
0x1d: {  	s5 =	simm.s32 @p1 $0x1;
	p0 =	seq.s32 s7, s2  }
0x1e: {  	s7 =	smul.u32 @!p0 $0xF7A, s2;
	p2 =	seq.s32 @!p0 s5, $0x0  }
0x1f: {  	s9 =	smul.u32 $0xF7A, s1;
	s8 =	simm.s32 @!p0 $0x1BF5;
	p2 =	por !p2, p0  }
0x20: {  	[sflag:s8] =	ssyncset.s32 @!p0 $0xFFFFF086;
	s6 =	sadd.s32 @!p0 s3, s7;
	s7 =	simm.s32 @!p0 $0x108  }
0x21: {  	s3 =	sadd.s32 s3, s9;
	s6 =	sadd.s32 @!p0 $0x88, s6;
	s7 =	simm.s32 @p2 $0x1082  }
0x22: {  	[simem:s7], [sflag:s8] =	dma.local @!p0 [hbm:s6], $0xF7A  }
0x23: {  	s9 =	sor.u32 $0xD0000000, s2;
	s6 =	simm.s32 $0x108;
	_ =	swait.ge @!p0 [sflag:s8], $0x0  }
0x24: {  	s3 =	sadd.s32 $0x88, s3;
	s6 =	simm.s32 @!p1 $0x1082;
	[sflag:s4] =	ssyncset.s32 $0xFFFFF086  }
0x25: {  	[simem:s6], [sflag:s4] =	dma.local [hbm:s3], $0xF7A  }
0x26: {  	[smem:$0x3F9F] =	sst s1;
	(tag) =	ssettag s2;
	_ =	strace s9  }
0x27: {  	s1 =	sld [smem:$0x3FAF]  }
0x28: {  	s2 =	sld [smem:$0x3FB0]  }
0x29: {  	s4 =	sld [smem:$0x3FB2]  }
0x2a: {  	p0 =	seq.s32 s5, $0x0;
	s5 =	sld [smem:$0x3FB3]  }
0x2b: {  	s6 =	sld [smem:$0x3FB4]  }
0x2c: {  	s7 =	sld [smem:$0x3FB5]  }
0x2d: {  	s3 =	simm.s32 $0x108;
	s8 =	sld [smem:$0x3FB6]  }
0x2e: {  	s3 =	simm.s32 @!p0 $0x1082;
	s9 =	sld [smem:$0x3FB7]  }
0x2f: {  	lr =	sadd.s32 s0, s3;
	s0 =	sld [smem:$0x3FAE]  }
0x30: {  	s3 =	sld [smem:$0x3FB1]  }
0x31: {  	[smem:$0x3FBA] =	sst s10  }
0x32: {  	s10 =	sld [smem:$0x3FB8];
	_ =	sdelay $0x3  }
0x33: {  	p0 =	seq.s32 s10, $0x1;
	s10 =	sld [smem:$0x3FBA];
	_ =	sdelay $0x3  }
0x34: {  	[smem:$0x3FBA] =	sst s10  }
0x35: {  	s10 =	sld [smem:$0x3FB9];
	_ =	sdelay $0x3  }
0x36: {  	p1 =	seq.s32 s10, $0x1;
	s10 =	sld [smem:$0x3FBA];
	_ =	sdelay $0x3  }
0x37: {  	[smem:$0x3FBA] =	sst s10  }
0x38: {  	s10 =	sld [smem:$0x3FBB]  }
0x39: {  	_ = 	snop;
	(pc) =	sbr.ind lr, $3  }
0x3a: {  	_ = 	snop  }
0x3b: {  	_ = 	snop  }
0x3c: {  	p2 =	seq.s32 s10, $0x1;
	s10 =	sld [smem:$0x3FBA]  }
0x3d: {  	_ =	shalt  }
0x3e: {  	_ =	shalt  }
0x3f: {  	_ =	shalt  }
0x40: {  	_ =	shalt  }
0x41: {  	_ =	shalt  }
0x42: {  	_ =	shalt  }
0x43: {  	_ =	shalt  }
0x44: {  	_ =	shalt  }
0x45: {  	_ =	shalt  }
0x46: {  	_ =	shalt  }
0x47: {  	_ =	shalt  }
0x48: {  	_ =	shalt  }
0x49: {  	_ =	shalt  }
0x4a: {  	_ =	shalt  }
0x4b: {  	_ =	shalt  }
0x4c: {  	_ =	shalt  }
0x4d: {  	_ =	shalt  }
0x4e: {  	_ =	shalt  }
0x4f: {  	_ =	shalt  }
0x50: {  	_ =	shalt  }
0x51: {  	_ =	shalt  }
0x52: {  	_ =	shalt  }
0x53: {  	_ =	shalt  }
0x54: {  	_ =	shalt  }
0x55: {  	_ =	shalt  }
0x56: {  	_ =	shalt  }
0x57: {  	_ =	shalt  }
0x58: {  	_ =	shalt  }
0x59: {  	_ =	shalt  }
0x5a: {  	_ =	shalt  }
0x5b: {  	_ =	shalt  }
0x5c: {  	_ =	shalt  }
0x5d: {  	_ =	shalt  }
0x5e: {  	_ =	shalt  }
0x5f: {  	_ =	shalt  }
0x60: {  	_ =	shalt  }
0x61: {  	_ =	shalt  }
0x62: {  	_ =	shalt  }
0x63: {  	_ =	shalt  }
0x64: {  	_ =	shalt  }
0x65: {  	_ =	shalt  }
0x66: {  	_ =	shalt  }
0x67: {  	_ =	shalt  }
0x68: {  	_ =	shalt  }
0x69: {  	_ =	shalt  }
0x6a: {  	_ =	shalt  }
0x6b: {  	_ =	shalt  }
0x6c: {  	_ =	shalt  }
0x6d: {  	_ =	shalt  }
0x6e: {  	_ =	shalt  }
0x6f: {  	_ =	shalt  }
0x70: {  	_ =	shalt  }
0x71: {  	_ =	shalt  }
0x72: {  	_ =	shalt  }
0x73: {  	_ =	shalt  }
0x74: {  	_ =	shalt  }
0x75: {  	_ =	shalt  }
0x76: {  	_ =	shalt  }
0x77: {  	_ =	shalt  }
0x78: {  	_ =	shalt  }
0x79: {  	_ =	shalt  }
0x7a: {  	_ =	shalt  }
0x7b: {  	_ =	shalt  }
0x7c: {  	_ =	shalt  }
0x7d: {  	_ =	shalt  }
0x7e: {  	_ =	shalt  }
0x7f: {  	_ =	shalt  }
0x80: {  	_ =	shalt  }
0x81: {  	_ =	shalt  }
0x82: {  	_ =	shalt  }
0x83: {  	_ =	shalt  }
0x84: {  	_ =	shalt  }
0x85: {  	_ =	shalt  }
0x86: {  	_ =	shalt  }
0x87: {  	_ =	shalt  }
.Lfunc_end0:
.L_simem_size_0:
called_computation_lowered:
.L_overlay_start_0:
0x88: {  	s2 =	sld [smem:$0x3FD9]  }
0x89: {  	s3 =	sld [smem:$0x3FFE];
	_ =	sdelay $0x1  }
0x8a: {  	s1 =	srdreg.scid  }
0x8b: {  	s0 =	sand.u32 $0x1, s1  }
0x8c: {  	s18 =	sshll.u32 s0, $0xA;
	s2 =	sadd.s32 s3, s2  }
0x8d: {  	s2 =	sadd.s32 s2, s18  }
0x8e: {  	[smem:$0x3FC6] =	sst s2  }
0x8f: {  	_ = 	snop  }
0x90: {  	s2 =	sld [smem:$0x3FC9]  }
0x91: {  	s19 =	sld [smem:$0x3FC8]  }
0x92: {  	s4 =	sld [smem:$0x3FD0];
	(tm) =	ssettm $0x1  }
0x93: {  	s5 =	sld [smem:$0x3FFB];
	_ =	sdelay $0x3  }
0x94: {  	_ =	strace s5  }
0x95: {  	s5 =	sld [smem:$0x3FFC];
	_ =	sdelay $0x3  }
0x96: {  	_ =	strace s5  }
0x97: {  	s5 =	sld [smem:$0x3FFD];
	_ =	sdelay $0x3  }
0x98: {  	_ =	strace s5  }
0x99: {  	_ =	strace $0x8FFFFFFF  }
0x9a: {  	s20 =	sld [smem:$0x3FDB];
	_ =	sdelay $0x1  }
0x9b: {  	s6 =	simm.s32 $_scs_section_size  }
0x9c: {  	s7 =	simm.s32 $_size__tile_overlayer_lowered;
	s8 =	simm.s32 $_tile_overlayer_lowered  }
0x9d: {  	s23 =	simm.s32 $0x1BFF;
	s22 =	sshll.u32 s8, $0x1;
	s5 =	sadd.s32 s6, s20  }
0x9e: {  	s9 =	simm.s32 $0x0;
	s21 =	sshll.u32 s7, $0x1;
	s7 =	sadd.s32 s22, s5  }
0x9f: {  	[timem:s9], [sflag:s23] =	dma.local [hbm:s7], s21  }
0xa0: {  	_ =	swait.ge [sflag:s23], s21  }
0xa1: {  	s6 =	ssub.s32 $0x0, s21;
	[sflag:s23] =	ssyncset.done $0x0  }
0xa2: {  	[sflag:s23] =	ssyncadd.s32 s6;
	_ =	sdelay $0x1  }
0xa3: {  	s24 =	simm.s32 $0x1B8B  }
0xa4: {  	_ =	swait.ge [sflag:s24], $0x1  }
0xa5: {  	[sflag:s24] =	ssyncset.done $0x0  }
0xa6: {  	s25 =	simm.s32 $0x1B8E;
	[sflag:s24] =	ssyncadd.s32 $0xFFFFFFFF  }
0xa7: {  	s26 =	simm.s32 $execute0_lowered;
	[smem:$0x3FD2] =	sst s25  }
0xa8: {  	s6 =	sshll.u32 s26, $0x1;
	_ =	strace $0x80000046;
	[dreg:$0x1] =	wrdreg $0xFFFFFFFF  }
0xa9: {  	s28 =	simm.s32 $_size_execute0_lowered;
	s5 =	sadd.s32 s5, s6;
	[dreg:$0x0] =	wrdreg $0x0  }
0xaa: {  	s6 =	sshll.u32 s28, $0x1;
	[dreg:$0x2] =	wrdreg s5  }
0xab: {  	[dreg:$0x3] =	wrdreg s6  }
0xac: {  	[dreg:$0x4] =	wrdreg $0xC0  }
0xad: {  	_ =	task [dreg:s9], $0x5FFFF  }
0xae: {  	[dreg:$0x1] =	wrdreg $0xFFFFFFFF  }
0xaf: {  	[dreg:$0x0] =	wrdreg $0x60  }
0xb0: {  	[dreg:$0x2] =	wrdreg s2  }
0xb1: {  	[dreg:$0x3] =	wrdreg s19  }
0xb2: {  	[dreg:$0x4] =	wrdreg s4  }
0xb3: {  	[dreg:$0x5] =	wrdreg $0x9  }
0xb4: {  	_ =	task.clear_ibuf [dreg:s9], $0x6FFFF;
	_ =	strace $0x90000046  }
0xb5: {  	s29 =	simm.s32 $0x9;
	_ =	strace $0x80000048  }
0xb6: {  	_ =	swait.ge [sflag:s29], $0x1  }
0xb7: {  	[sflag:s29] =	ssyncadd.s32 $0xFFFFFFFF  }
0xb8: {  	_ =	strace $0x90000048  }
0xb9: {  	_ =	sfence  }
0xba: {  	s30 =	sld [smem:$0x0];
	_ =	sdelay $0x2  }
0xbb: {  	s31 =	sshll.u32 s1, $0xD;
	s1 =	sshrl.u32 s1, $0x2  }
0xbc: {  	s3 =	sand.u32 $0x4000, s31;
	s1 =	sadd.s32 s1, s30  }
0xbd: {  	s0 =	sor.u32 s3, s0;
	s1 =	sshll.u32 s1, $0x11  }
0xbe: {  	s0 =	sor.u32 s1, s0  }
0xbf: {  	s0 =	sadd.s32 $0x8F2B, s0  }
0xc0: {  	[sflag:s0] =	ssyncadd.remote.s32 $0x1  }
0xc1: {  	_ =	sfence.sel $0xFFFF  }
0xc2: {  	[dreg:$0x0] =	wrdreg $0xFFFFFFFF;
	(pc) =	sbr.abs _section_cstart, $3  }
0xc3: {  	[dreg:$0x1] =	wrdreg $0xFFFFFFFF  }
0xc4: {  	_ =	task.clear_ibuf [dreg:s9], $0x2FFFF;
	_ =	strace $0x9FFFFFFF  }
0xc5: {  	(tm) =	ssettm $0x7FFFFFFF  }
tec
execute0_lowered:
.L_overlay_start_1:
0x0: {  	(tag) =	ssettag $0x1  }
0x1: {  	s0 =	rddreg [dreg:$0x0]  }
0x2: {  	s2 =	rddreg [dreg:$0x1];
	s1 =	srdreg.scid  }
0x3: {  	s4 =	stileid.u32;
	s3 =	rddreg [dreg:$0x2];
	s12 =	simm.s32 $0x80  }
0x4: {  	s13 =	simm.s32 $0x1900;
	s14 =	simm.s32 $0x5900;
	s16 =	simm.s32 $0x9900  }
0x5: {  	s17 =	simm.s32 $0xD900;
	s18 =	simm.s32 $0x1;
	s19 =	simm.s32 $0x11900  }
0x6: {  	s20 =	simm.s32 $0x2;
	s21 =	simm.s32 $0x3;
	s22 =	simm.s32 $0x4  }
0x7: {  	s23 =	simm.s32 $0x5;
	s25 =	simm.s32 $0x7;
	s28 =	simm.s32 $0x9  }
0x8: {  	s29 =	simm.s32 $0xA;
	s1 =	sand.u32 $0x1, s1;
	s4 =	sshll.u32 s4, $0x1  }
0x9: {  	s30 =	simm.s32 $0x0;
	s6 =	sor.u32 s1, s4;
	s1 =	ssub.s32 $0x2, s1  }
0xa: {  	s4 =	simm.s32 $0x0;
	s5 =	smul.u32 $0x1900, s6;
	s7 =	sshrl.u32 s1, $0x1  }
0xb: {  	[smem:$0x7FF] =	sst s4;
	s9 =	smul.u32 $0xC8000, s6;
	s1 =	ssub.s32 s1, s7  }
0xc: {  	_ =	strace $0x80000047;
	s26 =	sshrl.u32 s5, $0x3;
	s31 =	smax.u32 s1, $0x1  }
0xd: {  	s7 =	sor.u32 $0x80, s5;
	s0 =	sadd.s32 s0, s26;
	[dreg:$0x5] =	wrdreg s31  }
0xe: {  	s8 =	sadd.s32 $0x100, s5;
	s26 =	simm.s32 $0x8;
	[dreg:$0x4] =	wrdreg s0  }
.LBB2_1:
0xf: {  	s0 =	rddreg [dreg:$0x4];
	s15 =	simm.s32 $0xB  }
0x10: {  	[tilespmem:s4], [sflag:$0xB] =	stream.linear.gather [hbm4b:s0+s4], $0x1900, $0x38;
	[tilespmem:$0x15900] =	vst v63  }
0x11: {  	_ =	swait.ge [sflag:s15], $0x1900  }
0x12: {  	[sflag:s15] =	ssyncset.done $0x0  }
0x13: {  	[sflag:s15] =	ssyncadd.s32 $0xFFFFE700  }
0x14: {  	[tilespmem:s13], [sflag:$0x1] =	stream.indirect.gather [hbm4b:s2+s12], $0x80, s4, s12, $0xb8;
	[tilespmem:$0x15900] =	vst v63  }
0x15: {  	_ = 	snop  }
0x16: {  	[tilespmem:s14], [sflag:$0x2] =	stream.indirect.gather [hbm4b:s2+s12], $0x80, s12, s12, $0xb8;
	[tilespmem:$0x15900] =	vst v63  }
0x17: {  	s24 =	simm.s32 $0x100;
	s31 =	simm.s32 $0x0  }
0x18: {  	[tilespmem:s16], [sflag:$0x3] =	stream.indirect.gather [hbm4b:s2+s12], $0x80, s24, s12, $0xb8;
	[tilespmem:$0x15900] =	vst v63  }
.LBB2_2:
0x19: {  	s0 =	smul.u32 $0x5, s31;
	p0 =	seq.s32 s31, $0x0  }
0x1a: {  	s6 =	simm.s32 @!p0 $0x9  }
0x1b: {  	s1 =	sadd.s32 $0x3, s0;
	_ =	swait.ge @!p0 [sflag:s6], $0x4000  }
0x1c: {  	[sflag:s6] =	ssyncset.done @!p0 $0x0;
	s10 =	sshll.u32 s1, $0x7  }
0x1d: {  	[sflag:s6] =	ssyncadd.s32 @!p0 $0xFFFFC000;
	s24 =	sand.u32 $0x3FFFFF80, s10  }
0x1e: {  	[tilespmem:s17], [sflag:$0x4] =	stream.indirect.gather [hbm4b:s2+s12], $0x80, s24, s12, $0xb8;
	[tilespmem:$0x15900] =	vst v63  }
0x1f: {  	_ =	swait.ge [sflag:s18], $0x4000  }
0x20: {  	[sflag:s18] =	ssyncset.done $0x0  }
0x21: {  	s6 =	simm.s32 $0x1A00;
	[sflag:s18] =	ssyncadd.s32 $0xFFFFC000  }
0x22: {  	v0 =	vld [tilespmem:s6+$0xF0]  }
0x23: {  	v1 =	vld [tilespmem:s6+$0xFFFFFF10]  }
0x24: {  	v2 =	vld [tilespmem:s6+$0xFFFFFF20]  }
0x25: {  	v3 =	vld [tilespmem:s6+$0xFFFFFF30]  }
0x26: {  	v6 =	vld [tilespmem:s6+$0xFFFFFF60]  }
0x27: {  	v4 =	vld [tilespmem:s6+$0xFFFFFF40]  }
0x28: {  	v5 =	vld [tilespmem:s6+$0xFFFFFF50];
	v0 =	vmul.f32 $1.131370830e+01, v0  }
0x29: {  	v8 =	vld [tilespmem:s6+$0xFFFFFF80];
	v1 =	vmul.f32 $1.131370830e+01, v1  }
0x2a: {  	v7 =	vld [tilespmem:s6+$0xFFFFFF70];
	v2 =	vmul.f32 $1.131370830e+01, v2;
	[tilespmem:s6+$0xF0] =	vst v0  }
0x2b: {  	v6 =	vmul.f32 $1.131370830e+01, v6;
	v0 =	vld [tilespmem:s6+$0xFFFFFF90];
	[tilespmem:s6+$0xFFFFFF10] =	vst v1  }
0x2c: {  	v1 =	vmul.f32 $1.131370830e+01, v3;
	v3 =	vld [tilespmem:s6+$0xFFFFFFA0];
	[tilespmem:s6+$0xFFFFFF20] =	vst v2;
	v2 =	vmul.f32 $1.131370830e+01, v4  }
0x2d: {  	[tilespmem:s6+$0xFFFFFF60] =	vst v6;
	v6 =	vld [tilespmem:s6+$0xFFFFFFF0]  }
0x2e: {  	v4 =	vld [tilespmem:s6+$0xFFFFFFB0];
	[tilespmem:s6+$0xFFFFFF40] =	vst v2;
	v2 =	vmul.f32 $1.131370830e+01, v8  }
0x2f: {  	[tilespmem:s6+$0xFFFFFF30] =	vst v1;
	v1 =	vmul.f32 $1.131370830e+01, v5;
	v5 =	vld [tilespmem:s6+$0xFFFFFFC0]  }
0x30: {  	v8 =	vld [tilespmem:s6+$0xFFFFFFD0];
	[tilespmem:s6+$0xFFFFFF80] =	vst v2;
	v2 =	vmul.f32 $1.131370830e+01, v7  }
0x31: {  	[tilespmem:s6+$0xFFFFFF50] =	vst v1;
	v1 =	vld [tilespmem:s6+$0xFFFFFFE0];
	v0 =	vmul.f32 $1.131370830e+01, v0  }
0x32: {  	v7 =	vld [tilespmem:s6+$0x30];
	v6 =	vmul.f32 $1.131370830e+01, v6;
	[tilespmem:s6+$0xFFFFFF70] =	vst v2  }
0x33: {  	v2 =	vmul.f32 $1.131370830e+01, v3;
	v3 =	vld [tilespmem:s6+$0x0];
	[tilespmem:s6+$0xFFFFFF90] =	vst v0  }
0x34: {  	v0 =	vmul.f32 $1.131370830e+01, v4;
	v4 =	vld [tilespmem:s6+$0x10];
	[tilespmem:s6+$0xFFFFFFF0] =	vst v6  }
0x35: {  	[tilespmem:s6+$0xFFFFFFA0] =	vst v2;
	v2 =	vmul.f32 $1.131370830e+01, v5;
	v5 =	vld [tilespmem:s6+$0x20]  }
0x36: {  	v6 =	vld [tilespmem:s6+$0x80];
	[tilespmem:s6+$0xFFFFFFB0] =	vst v0;
	v0 =	vmul.f32 $1.131370830e+01, v8  }
0x37: {  	v1 =	vmul.f32 $1.131370830e+01, v1;
	[tilespmem:s6+$0xFFFFFFC0] =	vst v2;
	v2 =	vld [tilespmem:s6+$0x40]  }
0x38: {  	[tilespmem:s6+$0xFFFFFFD0] =	vst v0;
	v0 =	vmul.f32 $1.131370830e+01, v3;
	v3 =	vld [tilespmem:s6+$0x50]  }
0x39: {  	[tilespmem:s6+$0xFFFFFFE0] =	vst v1;
	v1 =	vld [tilespmem:s6+$0x60];
	v4 =	vmul.f32 $1.131370830e+01, v4  }
0x3a: {  	[tilespmem:s6+$0x0] =	vst v0;
	v0 =	vmul.f32 $1.131370830e+01, v5;
	v5 =	vld [tilespmem:s6+$0x70]  }
0x3b: {  	v6 =	vmul.f32 $1.131370830e+01, v6;
	[tilespmem:s6+$0x10] =	vst v4  }
0x3c: {  	v4 =	vmul.f32 $1.131370830e+01, v7;
	v7 =	vld [tilespmem:s6+$0x90];
	[tilespmem:s6+$0x20] =	vst v0;
	v0 =	vmul.f32 $1.131370830e+01, v2  }
0x3d: {  	v8 =	vld [tilespmem:s6+$0xA0];
	[tilespmem:s6+$0x80] =	vst v6;
	v2 =	vmul.f32 $1.131370830e+01, v3  }
0x3e: {  	v3 =	vmul.f32 $1.131370830e+01, v1;
	[tilespmem:s6+$0x40] =	vst v0;
	v0 =	vld [tilespmem:s6+$0xB0]  }
0x3f: {  	v1 =	vld [tilespmem:s6+$0xC0];
	[tilespmem:s6+$0x50] =	vst v2;
	v2 =	vmul.f32 $1.131370830e+01, v5  }
0x40: {  	[tilespmem:s6+$0x60] =	vst v3;
	v3 =	vld [tilespmem:s6+$0xD0]  }
0x41: {  	v5 =	vmul.f32 $1.131370830e+01, v7;
	[tilespmem:s6+$0x70] =	vst v2;
	v2 =	vld [tilespmem:s6+$0xE0]  }
0x42: {  	s11 =	simm.s32 $0x1C00;
	s10 =	simm.s32 $0x0;
	v6 =	vmul.f32 $1.131370830e+01, v8;
	[tilespmem:s6+$0x30] =	vst v4;
	v4 =	vld [tilespmem:s6+$0xFFFFFF00]  }
.LBB2_3:
0x43: {  	v7 =	vld [tilespmem:s11+$0xF0];
	s10 =	sadd.s32 $0x4, s10;
	[tilespmem:s6+$0x90] =	vst v5;
	v0 =	vmul.f32 $1.131370830e+01, v0  }
0x44: {  	v5 =	vld [tilespmem:s11+$0xFFFFFF10];
	p1 =	slt.u32 s10, $0x7C;
	[tilespmem:s6+$0xA0] =	vst v6;
	v1 =	vmul.f32 $1.131370830e+01, v1  }
0x45: {  	v6 =	vld [tilespmem:s11+$0xFFFFFF20];
	[tilespmem:s6+$0xB0] =	vst v0;
	v0 =	vmul.f32 $1.131370830e+01, v3  }
0x46: {  	v3 =	vld [tilespmem:s11+$0xFFFFFF30];
	[tilespmem:s6+$0xC0] =	vst v1;
	v1 =	vmul.f32 $1.131370830e+01, v2  }
0x47: {  	v2 =	vld [tilespmem:s11+$0xFFFFFF40];
	v4 =	vmul.f32 $1.131370830e+01, v4;
	[tilespmem:s6+$0xD0] =	vst v0  }
0x48: {  	v0 =	vld [tilespmem:s11+$0xFFFFFF50];
	v7 =	vmul.f32 $1.131370830e+01, v7;
	[tilespmem:s6+$0xE0] =	vst v1  }
0x49: {  	v1 =	vmul.f32 $1.131370830e+01, v5;
	v5 =	vld [tilespmem:s11+$0xFFFFFF60];
	[tilespmem:s6+$0xFFFFFF00] =	vst v4;
	s6 =	smov.u32 s11  }
0x4a: {  	v4 =	vmul.f32 $1.131370830e+01, v6;
	v6 =	vld [tilespmem:s11+$0xFFFFFF70];
	[tilespmem:s11+$0xF0] =	vst v7  }
0x4b: {  	[tilespmem:s11+$0xFFFFFF10] =	vst v1;
	v1 =	vmul.f32 $1.131370830e+01, v3;
	v3 =	vld [tilespmem:s11+$0xFFFFFF80]  }
0x4c: {  	[tilespmem:s11+$0xFFFFFF20] =	vst v4;
	v2 =	vmul.f32 $1.131370830e+01, v2;
	v4 =	vld [tilespmem:s11+$0xFFFFFF90]  }
0x4d: {  	[tilespmem:s11+$0xFFFFFF30] =	vst v1;
	v0 =	vmul.f32 $1.131370830e+01, v0;
	v1 =	vld [tilespmem:s11+$0xFFFFFFA0]  }
0x4e: {  	[tilespmem:s11+$0xFFFFFF40] =	vst v2;
	v2 =	vmul.f32 $1.131370830e+01, v5;
	v5 =	vld [tilespmem:s11+$0xFFFFFFB0]  }
0x4f: {  	[tilespmem:s11+$0xFFFFFF50] =	vst v0;
	v0 =	vmul.f32 $1.131370830e+01, v6;
	v6 =	vld [tilespmem:s11+$0xFFFFFFC0]  }
0x50: {  	[tilespmem:s11+$0xFFFFFF60] =	vst v2;
	v2 =	vmul.f32 $1.131370830e+01, v3;
	v3 =	vld [tilespmem:s11+$0xFFFFFFD0]  }
0x51: {  	[tilespmem:s11+$0xFFFFFF70] =	vst v0;
	v0 =	vmul.f32 $1.131370830e+01, v4;
	v4 =	vld [tilespmem:s11+$0xFFFFFFE0]  }
0x52: {  	[tilespmem:s11+$0xFFFFFF80] =	vst v2;
	v1 =	vmul.f32 $1.131370830e+01, v1;
	v2 =	vld [tilespmem:s11+$0xFFFFFFF0]  }
0x53: {  	[tilespmem:s11+$0xFFFFFF90] =	vst v0;
	v0 =	vmul.f32 $1.131370830e+01, v5;
	v5 =	vld [tilespmem:s11+$0x0]  }
0x54: {  	[tilespmem:s11+$0xFFFFFFA0] =	vst v1;
	v1 =	vmul.f32 $1.131370830e+01, v6;
	v6 =	vld [tilespmem:s11+$0x10]  }
0x55: {  	[tilespmem:s11+$0xFFFFFFB0] =	vst v0;
	v0 =	vmul.f32 $1.131370830e+01, v3;
	v3 =	vld [tilespmem:s11+$0x20]  }
0x56: {  	[tilespmem:s11+$0xFFFFFFC0] =	vst v1;
	v1 =	vmul.f32 $1.131370830e+01, v4;
	v4 =	vld [tilespmem:s11+$0x30]  }
0x57: {  	[tilespmem:s11+$0xFFFFFFD0] =	vst v0;
	v0 =	vmul.f32 $1.131370830e+01, v2;
	v2 =	vld [tilespmem:s11+$0x40]  }
0x58: {  	[tilespmem:s11+$0xFFFFFFE0] =	vst v1;
	v1 =	vmul.f32 $1.131370830e+01, v5;
	v5 =	vld [tilespmem:s11+$0x50]  }
0x59: {  	[tilespmem:s11+$0xFFFFFFF0] =	vst v0;
	v0 =	vmul.f32 $1.131370830e+01, v6;
	v6 =	vld [tilespmem:s11+$0x60]  }
0x5a: {  	[tilespmem:s11+$0x0] =	vst v1;
	v1 =	vmul.f32 $1.131370830e+01, v3;
	v3 =	vld [tilespmem:s11+$0x70]  }
0x5b: {  	[tilespmem:s11+$0x10] =	vst v0;
	v0 =	vmul.f32 $1.131370830e+01, v4;
	v4 =	vld [tilespmem:s11+$0x80]  }
0x5c: {  	[tilespmem:s11+$0x20] =	vst v1;
	v1 =	vmul.f32 $1.131370830e+01, v2;
	v2 =	vld [tilespmem:s11+$0x90]  }
0x5d: {  	[tilespmem:s11+$0x30] =	vst v0;
	v5 =	vmul.f32 $1.131370830e+01, v5;
	v7 =	vld [tilespmem:s11+$0xA0]  }
.Ltmp0:
0x5e: {  	[tilespmem:s11+$0x40] =	vst v1;
	v6 =	vmul.f32 $1.131370830e+01, v6;
	v0 =	vld [tilespmem:s11+$0xB0];
	(pc) =	sbr.rel @p1 .LBB2_3-.Ltmp0, $4  }
0x5f: {  	[tilespmem:s11+$0x50] =	vst v5;
	v5 =	vmul.f32 $1.131370830e+01, v3;
	v1 =	vld [tilespmem:s11+$0xC0]  }
0x60: {  	[tilespmem:s11+$0x60] =	vst v6;
	v6 =	vmul.f32 $1.131370830e+01, v4;
	v3 =	vld [tilespmem:s11+$0xD0]  }
0x61: {  	[tilespmem:s11+$0x70] =	vst v5;
	v5 =	vmul.f32 $1.131370830e+01, v2;
	v2 =	vld [tilespmem:s11+$0xE0]  }
0x62: {  	s11 =	sadd.s32 $0x200, s11;
	v4 =	vld [tilespmem:s6+$0xFFFFFF00];
	[tilespmem:s6+$0x80] =	vst v6;
	v6 =	vmul.f32 $1.131370830e+01, v7  }
0x63: {  	[tilespmem:s6+$0x90] =	vst v5;
	v0 =	vmul.f32 $1.131370830e+01, v0  }
0x64: {  	[tilespmem:s6+$0xA0] =	vst v6;
	v1 =	vmul.f32 $1.131370830e+01, v1  }
0x65: {  	s15 =	smul.u32 $0x280, s31;
	[tilespmem:s6+$0xB0] =	vst v0;
	v0 =	vmul.f32 $1.131370830e+01, v3  }
0x66: {  	[tilespmem:s6+$0xC0] =	vst v1;
	v1 =	vmul.f32 $1.131370830e+01, v2  }
0x67: {  	s10 =	sadd.s32 s5, s15;
	v2 =	vmul.f32 $1.131370830e+01, v4;
	[tilespmem:s6+$0xD0] =	vst v0  }
0x68: {  	s10 =	sshll.u32 s10, $0x4;
	[tilespmem:s6+$0xE0] =	vst v1  }
0x69: {  	s10 =	sadd.s32 s3, s10;
	[tilespmem:s6+$0xFFFFFF00] =	vst v2;
	s6 =	simm.s32 @!p0 $0xA  }
0x6a: {  	[hbm4b:s10+s4] =	stream.linear.scatter [tilespmem:s13], [sflag:$0x6], $0x4000, $0x38;
	[tilespmem:$0x15900] =	vst v63  }
0x6b: {  	s0 =	sadd.s32 $0x4, s0;
	_ =	swait.ge @!p0 [sflag:s6], $0x4000  }
0x6c: {  	s11 =	sshll.u32 s0, $0x7;
	[sflag:s6] =	ssyncset.done @!p0 $0x0  }
0x6d: {  	s24 =	sand.u32 $0x3FFFFF80, s11;
	[sflag:s6] =	ssyncadd.s32 @!p0 $0xFFFFC000  }
0x6e: {  	[tilespmem:s19], [sflag:$0x5] =	stream.indirect.gather [hbm4b:s2+s12], $0x80, s24, s12, $0xb8;
	[tilespmem:$0x15900] =	vst v63  }
0x6f: {  	_ =	swait.ge [sflag:s20], $0x4000  }
0x70: {  	[sflag:s20] =	ssyncset.done $0x0  }
0x71: {  	s6 =	simm.s32 $0x5A00;
	[sflag:s20] =	ssyncadd.s32 $0xFFFFC000  }
0x72: {  	v0 =	vld [tilespmem:s6+$0xF0]  }
0x73: {  	v1 =	vld [tilespmem:s6+$0xFFFFFF10]  }
0x74: {  	v2 =	vld [tilespmem:s6+$0xFFFFFF20]  }
0x75: {  	v3 =	vld [tilespmem:s6+$0xFFFFFF30]  }
0x76: {  	v6 =	vld [tilespmem:s6+$0xFFFFFF60]  }
0x77: {  	v4 =	vld [tilespmem:s6+$0xFFFFFF40]  }
0x78: {  	v5 =	vld [tilespmem:s6+$0xFFFFFF50];
	v0 =	vmul.f32 $1.131370830e+01, v0  }
0x79: {  	v8 =	vld [tilespmem:s6+$0xFFFFFF80];
	v1 =	vmul.f32 $1.131370830e+01, v1  }
0x7a: {  	v7 =	vld [tilespmem:s6+$0xFFFFFF70];
	v2 =	vmul.f32 $1.131370830e+01, v2;
	[tilespmem:s6+$0xF0] =	vst v0  }
0x7b: {  	v6 =	vmul.f32 $1.131370830e+01, v6;
	v0 =	vld [tilespmem:s6+$0xFFFFFF90];
	[tilespmem:s6+$0xFFFFFF10] =	vst v1  }
0x7c: {  	v1 =	vmul.f32 $1.131370830e+01, v3;
	v3 =	vld [tilespmem:s6+$0xFFFFFFA0];
	[tilespmem:s6+$0xFFFFFF20] =	vst v2;
	v2 =	vmul.f32 $1.131370830e+01, v4  }
0x7d: {  	[tilespmem:s6+$0xFFFFFF60] =	vst v6;
	v6 =	vld [tilespmem:s6+$0xFFFFFFF0]  }
0x7e: {  	v4 =	vld [tilespmem:s6+$0xFFFFFFB0];
	[tilespmem:s6+$0xFFFFFF40] =	vst v2;
	v2 =	vmul.f32 $1.131370830e+01, v8  }
0x7f: {  	[tilespmem:s6+$0xFFFFFF30] =	vst v1;
	v1 =	vmul.f32 $1.131370830e+01, v5;
	v5 =	vld [tilespmem:s6+$0xFFFFFFC0]  }
0x80: {  	v8 =	vld [tilespmem:s6+$0xFFFFFFD0];
	[tilespmem:s6+$0xFFFFFF80] =	vst v2;
	v2 =	vmul.f32 $1.131370830e+01, v7  }
0x81: {  	[tilespmem:s6+$0xFFFFFF50] =	vst v1;
	v1 =	vld [tilespmem:s6+$0xFFFFFFE0];
	v0 =	vmul.f32 $1.131370830e+01, v0  }
0x82: {  	v7 =	vld [tilespmem:s6+$0x30];
	v6 =	vmul.f32 $1.131370830e+01, v6;
	[tilespmem:s6+$0xFFFFFF70] =	vst v2  }
0x83: {  	v2 =	vmul.f32 $1.131370830e+01, v3;
	v3 =	vld [tilespmem:s6+$0x0];
	[tilespmem:s6+$0xFFFFFF90] =	vst v0  }
0x84: {  	v0 =	vmul.f32 $1.131370830e+01, v4;
	v4 =	vld [tilespmem:s6+$0x10];
	[tilespmem:s6+$0xFFFFFFF0] =	vst v6  }
0x85: {  	[tilespmem:s6+$0xFFFFFFA0] =	vst v2;
	v2 =	vmul.f32 $1.131370830e+01, v5;
	v5 =	vld [tilespmem:s6+$0x20]  }
0x86: {  	v6 =	vld [tilespmem:s6+$0x80];
	[tilespmem:s6+$0xFFFFFFB0] =	vst v0;
	v0 =	vmul.f32 $1.131370830e+01, v8  }
0x87: {  	v1 =	vmul.f32 $1.131370830e+01, v1;
	[tilespmem:s6+$0xFFFFFFC0] =	vst v2;
	v2 =	vld [tilespmem:s6+$0x40]  }
0x88: {  	[tilespmem:s6+$0xFFFFFFD0] =	vst v0;
	v0 =	vmul.f32 $1.131370830e+01, v3  }
0x89: {  	v3 =	vld [tilespmem:s6+$0x50];
	[tilespmem:s6+$0xFFFFFFE0] =	vst v1;
	v4 =	vmul.f32 $1.131370830e+01, v4  }
0x8a: {  	v1 =	vld [tilespmem:s6+$0x60];
	[tilespmem:s6+$0x0] =	vst v0;
	v0 =	vmul.f32 $1.131370830e+01, v5  }
0x8b: {  	v6 =	vmul.f32 $1.131370830e+01, v6;
	v5 =	vld [tilespmem:s6+$0x70];
	[tilespmem:s6+$0x10] =	vst v4  }
0x8c: {  	v4 =	vmul.f32 $1.131370830e+01, v7;
	v7 =	vld [tilespmem:s6+$0x90];
	[tilespmem:s6+$0x20] =	vst v0;
	v0 =	vmul.f32 $1.131370830e+01, v2  }
0x8d: {  	v8 =	vld [tilespmem:s6+$0xA0];
	[tilespmem:s6+$0x80] =	vst v6  }
0x8e: {  	v2 =	vmul.f32 $1.131370830e+01, v3;
	[tilespmem:s6+$0x40] =	vst v0;
	v0 =	vld [tilespmem:s6+$0xB0]  }
0x8f: {  	[tilespmem:s6+$0x30] =	vst v4;
	v3 =	vmul.f32 $1.131370830e+01, v1;
	v1 =	vld [tilespmem:s6+$0xC0]  }
0x90: {  	[tilespmem:s6+$0x50] =	vst v2;
	v4 =	vmul.f32 $1.131370830e+01, v5;
	v2 =	vld [tilespmem:s6+$0xD0]  }
0x91: {  	[tilespmem:s6+$0x60] =	vst v3;
	v3 =	vld [tilespmem:s6+$0xE0];
	v5 =	vmul.f32 $1.131370830e+01, v7  }
0x92: {  	s11 =	simm.s32 $0x5C00;
	s10 =	simm.s32 $0x0;
	v6 =	vmul.f32 $1.131370830e+01, v8;
	[tilespmem:s6+$0x70] =	vst v4;
	v4 =	vld [tilespmem:s6+$0xFFFFFF00]  }
.LBB2_5:
0x93: {  	v7 =	vld [tilespmem:s11+$0xF0];
	s10 =	sadd.s32 $0x4, s10;
	[tilespmem:s6+$0x90] =	vst v5;
	v0 =	vmul.f32 $1.131370830e+01, v0  }
0x94: {  	v5 =	vld [tilespmem:s11+$0xFFFFFF10];
	p0 =	slt.u32 s10, $0x7C;
	[tilespmem:s6+$0xA0] =	vst v6;
	v1 =	vmul.f32 $1.131370830e+01, v1  }
0x95: {  	v6 =	vld [tilespmem:s11+$0xFFFFFF20];
	[tilespmem:s6+$0xB0] =	vst v0;
	v0 =	vmul.f32 $1.131370830e+01, v2  }
0x96: {  	v2 =	vld [tilespmem:s11+$0xFFFFFF30];
	[tilespmem:s6+$0xC0] =	vst v1;
	v1 =	vmul.f32 $1.131370830e+01, v3  }
0x97: {  	v3 =	vld [tilespmem:s11+$0xFFFFFF40];
	v4 =	vmul.f32 $1.131370830e+01, v4;
	[tilespmem:s6+$0xD0] =	vst v0  }
0x98: {  	v0 =	vld [tilespmem:s11+$0xFFFFFF50];
	v7 =	vmul.f32 $1.131370830e+01, v7;
	[tilespmem:s6+$0xE0] =	vst v1  }
0x99: {  	v1 =	vmul.f32 $1.131370830e+01, v5;
	v5 =	vld [tilespmem:s11+$0xFFFFFF60];
	[tilespmem:s6+$0xFFFFFF00] =	vst v4;
	s6 =	smov.u32 s11  }
0x9a: {  	v4 =	vmul.f32 $1.131370830e+01, v6;
	v6 =	vld [tilespmem:s11+$0xFFFFFF70];
	[tilespmem:s11+$0xF0] =	vst v7  }
0x9b: {  	[tilespmem:s11+$0xFFFFFF10] =	vst v1;
	v1 =	vmul.f32 $1.131370830e+01, v2;
	v2 =	vld [tilespmem:s11+$0xFFFFFF80]  }
0x9c: {  	[tilespmem:s11+$0xFFFFFF20] =	vst v4;
	v3 =	vmul.f32 $1.131370830e+01, v3;
	v4 =	vld [tilespmem:s11+$0xFFFFFF90]  }
0x9d: {  	[tilespmem:s11+$0xFFFFFF30] =	vst v1;
	v0 =	vmul.f32 $1.131370830e+01, v0;
	v1 =	vld [tilespmem:s11+$0xFFFFFFA0]  }
0x9e: {  	[tilespmem:s11+$0xFFFFFF40] =	vst v3;
	v3 =	vmul.f32 $1.131370830e+01, v5;
	v5 =	vld [tilespmem:s11+$0xFFFFFFB0]  }
0x9f: {  	[tilespmem:s11+$0xFFFFFF50] =	vst v0;
	v0 =	vmul.f32 $1.131370830e+01, v6;
	v6 =	vld [tilespmem:s11+$0xFFFFFFC0]  }
0xa0: {  	[tilespmem:s11+$0xFFFFFF60] =	vst v3;
	v2 =	vmul.f32 $1.131370830e+01, v2;
	v3 =	vld [tilespmem:s11+$0xFFFFFFD0]  }
0xa1: {  	[tilespmem:s11+$0xFFFFFF70] =	vst v0;
	v0 =	vmul.f32 $1.131370830e+01, v4;
	v4 =	vld [tilespmem:s11+$0xFFFFFFE0]  }
0xa2: {  	[tilespmem:s11+$0xFFFFFF80] =	vst v2;
	v1 =	vmul.f32 $1.131370830e+01, v1;
	v2 =	vld [tilespmem:s11+$0xFFFFFFF0]  }
0xa3: {  	[tilespmem:s11+$0xFFFFFF90] =	vst v0;
	v0 =	vmul.f32 $1.131370830e+01, v5;
	v5 =	vld [tilespmem:s11+$0x0]  }
0xa4: {  	[tilespmem:s11+$0xFFFFFFA0] =	vst v1;
	v1 =	vmul.f32 $1.131370830e+01, v6;
	v6 =	vld [tilespmem:s11+$0x10]  }
0xa5: {  	[tilespmem:s11+$0xFFFFFFB0] =	vst v0;
	v0 =	vmul.f32 $1.131370830e+01, v3;
	v3 =	vld [tilespmem:s11+$0x20]  }
0xa6: {  	[tilespmem:s11+$0xFFFFFFC0] =	vst v1;
	v1 =	vmul.f32 $1.131370830e+01, v4;
	v4 =	vld [tilespmem:s11+$0x30]  }
0xa7: {  	[tilespmem:s11+$0xFFFFFFD0] =	vst v0;
	v0 =	vmul.f32 $1.131370830e+01, v2;
	v2 =	vld [tilespmem:s11+$0x40]  }
0xa8: {  	[tilespmem:s11+$0xFFFFFFE0] =	vst v1;
	v1 =	vmul.f32 $1.131370830e+01, v5;
	v5 =	vld [tilespmem:s11+$0x50]  }
0xa9: {  	[tilespmem:s11+$0xFFFFFFF0] =	vst v0;
	v0 =	vmul.f32 $1.131370830e+01, v6;
	v6 =	vld [tilespmem:s11+$0x60]  }
0xaa: {  	[tilespmem:s11+$0x0] =	vst v1;
	v1 =	vmul.f32 $1.131370830e+01, v3;
	v3 =	vld [tilespmem:s11+$0x70]  }
0xab: {  	[tilespmem:s11+$0x10] =	vst v0;
	v0 =	vmul.f32 $1.131370830e+01, v4;
	v4 =	vld [tilespmem:s11+$0x80]  }
0xac: {  	[tilespmem:s11+$0x20] =	vst v1;
	v1 =	vmul.f32 $1.131370830e+01, v2;
	v7 =	vld [tilespmem:s11+$0x90]  }
0xad: {  	[tilespmem:s11+$0x30] =	vst v0;
	v2 =	vmul.f32 $1.131370830e+01, v5;
	v8 =	vld [tilespmem:s11+$0xA0]  }
.Ltmp1:
0xae: {  	[tilespmem:s11+$0x40] =	vst v1;
	v5 =	vmul.f32 $1.131370830e+01, v6;
	v0 =	vld [tilespmem:s11+$0xB0];
	(pc) =	sbr.rel @p0 .LBB2_5-.Ltmp1, $4  }
0xaf: {  	[tilespmem:s11+$0x50] =	vst v2;
	v3 =	vmul.f32 $1.131370830e+01, v3;
	v1 =	vld [tilespmem:s11+$0xC0]  }
0xb0: {  	[tilespmem:s11+$0x60] =	vst v5;
	v6 =	vmul.f32 $1.131370830e+01, v4;
	v2 =	vld [tilespmem:s11+$0xD0]  }
0xb1: {  	[tilespmem:s11+$0x70] =	vst v3;
	v5 =	vmul.f32 $1.131370830e+01, v7;
	v3 =	vld [tilespmem:s11+$0xE0]  }
0xb2: {  	s11 =	sadd.s32 $0x200, s11;
	v4 =	vld [tilespmem:s6+$0xFFFFFF00];
	[tilespmem:s6+$0x80] =	vst v6;
	v6 =	vmul.f32 $1.131370830e+01, v8  }
0xb3: {  	[tilespmem:s6+$0x90] =	vst v5;
	v0 =	vmul.f32 $1.131370830e+01, v0  }
0xb4: {  	[tilespmem:s6+$0xA0] =	vst v6;
	v1 =	vmul.f32 $1.131370830e+01, v1  }
0xb5: {  	[tilespmem:s6+$0xB0] =	vst v0;
	v0 =	vmul.f32 $1.131370830e+01, v2  }
0xb6: {  	[tilespmem:s6+$0xC0] =	vst v1;
	v1 =	vmul.f32 $1.131370830e+01, v3  }
0xb7: {  	s10 =	sadd.s32 s15, s7;
	v2 =	vmul.f32 $1.131370830e+01, v4;
	[tilespmem:s6+$0xD0] =	vst v0  }
0xb8: {  	p0 =	seq.s32 s31, $0x9;
	s10 =	sshll.u32 s10, $0x4;
	[tilespmem:s6+$0xE0] =	vst v1  }
0xb9: {  	s24 =	sadd.s32 s3, s10;
	[tilespmem:s6+$0xFFFFFF00] =	vst v2;
	s6 =	simm.s32 @!p0 $0x6  }
0xba: {  	[hbm4b:s24+s4] =	stream.linear.scatter [tilespmem:s14], [sflag:$0x7], $0x4000, $0x38;
	[tilespmem:$0x15900] =	vst v63  }
0xbb: {  	s10 =	smul.u32 @!p0 $0xA00, s31;
	_ =	swait.ge @!p0 [sflag:s6], $0x4000  }
0xbc: {  	[sflag:s6] =	ssyncset.done @!p0 $0x0  }
0xbd: {  	[sflag:s6] =	ssyncadd.s32 @!p0 $0xFFFFC000;
	s6 =	sshra.s32 @!p0 s10, $0x2  }
0xbe: {  	s11 =	simm.s32 @!p0 $0x80;
	s24 =	simm.s32 @!p0 $0x1900;
	s10 =	sadd.s32 @!p0 $0x280, s6  }
0xbf: {  	[tilespmem:s24], [sflag:$0x1] =	stream.indirect.gather @!p0 [hbm4b:s2+s11], $0x80, s10, s11, $0xb8;
	[tilespmem:$0x15900] =	vst v63  }
0xc0: {  	_ =	swait.ge [sflag:s21], $0x4000  }
0xc1: {  	[sflag:s21] =	ssyncset.done $0x0  }
0xc2: {  	s10 =	simm.s32 $0x9A00;
	[sflag:s21] =	ssyncadd.s32 $0xFFFFC000  }
0xc3: {  	v0 =	vld [tilespmem:s10+$0xF0]  }
0xc4: {  	v1 =	vld [tilespmem:s10+$0xFFFFFF10]  }
0xc5: {  	v2 =	vld [tilespmem:s10+$0xFFFFFF20]  }
0xc6: {  	v3 =	vld [tilespmem:s10+$0xFFFFFF30]  }
0xc7: {  	v6 =	vld [tilespmem:s10+$0xFFFFFF60]  }
0xc8: {  	v4 =	vld [tilespmem:s10+$0xFFFFFF40]  }
0xc9: {  	v5 =	vld [tilespmem:s10+$0xFFFFFF50];
	v0 =	vmul.f32 $1.131370830e+01, v0  }
0xca: {  	v8 =	vld [tilespmem:s10+$0xFFFFFF80];
	v1 =	vmul.f32 $1.131370830e+01, v1  }
0xcb: {  	v7 =	vld [tilespmem:s10+$0xFFFFFF70];
	v2 =	vmul.f32 $1.131370830e+01, v2;
	[tilespmem:s10+$0xF0] =	vst v0  }
0xcc: {  	v6 =	vmul.f32 $1.131370830e+01, v6;
	v0 =	vld [tilespmem:s10+$0xFFFFFF90];
	[tilespmem:s10+$0xFFFFFF10] =	vst v1  }
0xcd: {  	v1 =	vmul.f32 $1.131370830e+01, v3;
	v3 =	vld [tilespmem:s10+$0xFFFFFFA0];
	[tilespmem:s10+$0xFFFFFF20] =	vst v2;
	v2 =	vmul.f32 $1.131370830e+01, v4  }
0xce: {  	[tilespmem:s10+$0xFFFFFF60] =	vst v6;
	v6 =	vld [tilespmem:s10+$0xFFFFFFF0]  }
0xcf: {  	v4 =	vld [tilespmem:s10+$0xFFFFFFB0];
	[tilespmem:s10+$0xFFFFFF40] =	vst v2;
	v2 =	vmul.f32 $1.131370830e+01, v8  }
0xd0: {  	[tilespmem:s10+$0xFFFFFF30] =	vst v1;
	v1 =	vmul.f32 $1.131370830e+01, v5;
	v5 =	vld [tilespmem:s10+$0xFFFFFFC0]  }
0xd1: {  	v8 =	vld [tilespmem:s10+$0xFFFFFFD0];
	[tilespmem:s10+$0xFFFFFF80] =	vst v2;
	v2 =	vmul.f32 $1.131370830e+01, v7  }
0xd2: {  	[tilespmem:s10+$0xFFFFFF50] =	vst v1;
	v1 =	vld [tilespmem:s10+$0xFFFFFFE0];
	v0 =	vmul.f32 $1.131370830e+01, v0  }
0xd3: {  	v7 =	vld [tilespmem:s10+$0x30];
	v6 =	vmul.f32 $1.131370830e+01, v6;
	[tilespmem:s10+$0xFFFFFF70] =	vst v2  }
0xd4: {  	v2 =	vmul.f32 $1.131370830e+01, v3;
	v3 =	vld [tilespmem:s10+$0x0];
	[tilespmem:s10+$0xFFFFFF90] =	vst v0  }
0xd5: {  	v0 =	vmul.f32 $1.131370830e+01, v4;
	v4 =	vld [tilespmem:s10+$0x10];
	[tilespmem:s10+$0xFFFFFFF0] =	vst v6  }
0xd6: {  	[tilespmem:s10+$0xFFFFFFA0] =	vst v2;
	v2 =	vmul.f32 $1.131370830e+01, v5;
	v5 =	vld [tilespmem:s10+$0x20]  }
0xd7: {  	v6 =	vld [tilespmem:s10+$0x80];
	[tilespmem:s10+$0xFFFFFFB0] =	vst v0;
	v0 =	vmul.f32 $1.131370830e+01, v8  }
0xd8: {  	v1 =	vmul.f32 $1.131370830e+01, v1;
	[tilespmem:s10+$0xFFFFFFC0] =	vst v2;
	v2 =	vld [tilespmem:s10+$0x40]  }
0xd9: {  	[tilespmem:s10+$0xFFFFFFD0] =	vst v0;
	v0 =	vmul.f32 $1.131370830e+01, v3  }
0xda: {  	v3 =	vld [tilespmem:s10+$0x50];
	[tilespmem:s10+$0xFFFFFFE0] =	vst v1;
	v4 =	vmul.f32 $1.131370830e+01, v4  }
0xdb: {  	v1 =	vld [tilespmem:s10+$0x60];
	[tilespmem:s10+$0x0] =	vst v0;
	v0 =	vmul.f32 $1.131370830e+01, v5  }
0xdc: {  	v6 =	vmul.f32 $1.131370830e+01, v6;
	v5 =	vld [tilespmem:s10+$0x70];
	[tilespmem:s10+$0x10] =	vst v4  }
0xdd: {  	v4 =	vmul.f32 $1.131370830e+01, v7;
	v7 =	vld [tilespmem:s10+$0x90];
	[tilespmem:s10+$0x20] =	vst v0;
	v0 =	vmul.f32 $1.131370830e+01, v2  }
0xde: {  	v8 =	vld [tilespmem:s10+$0xA0];
	[tilespmem:s10+$0x80] =	vst v6  }
0xdf: {  	v2 =	vmul.f32 $1.131370830e+01, v3;
	[tilespmem:s10+$0x40] =	vst v0;
	v0 =	vld [tilespmem:s10+$0xB0]  }
0xe0: {  	[tilespmem:s10+$0x30] =	vst v4;
	v3 =	vmul.f32 $1.131370830e+01, v1;
	v1 =	vld [tilespmem:s10+$0xC0]  }
0xe1: {  	[tilespmem:s10+$0x50] =	vst v2;
	v4 =	vmul.f32 $1.131370830e+01, v5;
	v2 =	vld [tilespmem:s10+$0xD0]  }
0xe2: {  	[tilespmem:s10+$0x60] =	vst v3;
	v3 =	vld [tilespmem:s10+$0xE0];
	v5 =	vmul.f32 $1.131370830e+01, v7  }
0xe3: {  	s11 =	simm.s32 $0x0;
	s24 =	simm.s32 $0x9C00;
	v6 =	vmul.f32 $1.131370830e+01, v8;
	[tilespmem:s10+$0x70] =	vst v4;
	v4 =	vld [tilespmem:s10+$0xFFFFFF00]  }
.LBB2_7:
0xe4: {  	v7 =	vld [tilespmem:s24+$0xF0];
	s11 =	sadd.s32 $0x4, s11;
	[tilespmem:s10+$0x90] =	vst v5;
	v0 =	vmul.f32 $1.131370830e+01, v0  }
0xe5: {  	v5 =	vld [tilespmem:s24+$0xFFFFFF10];
	p1 =	slt.u32 s11, $0x7C;
	[tilespmem:s10+$0xA0] =	vst v6;
	v1 =	vmul.f32 $1.131370830e+01, v1  }
0xe6: {  	v6 =	vld [tilespmem:s24+$0xFFFFFF20];
	[tilespmem:s10+$0xB0] =	vst v0;
	v0 =	vmul.f32 $1.131370830e+01, v2  }
0xe7: {  	v2 =	vld [tilespmem:s24+$0xFFFFFF30];
	[tilespmem:s10+$0xC0] =	vst v1;
	v1 =	vmul.f32 $1.131370830e+01, v3  }
0xe8: {  	v3 =	vld [tilespmem:s24+$0xFFFFFF40];
	v4 =	vmul.f32 $1.131370830e+01, v4;
	[tilespmem:s10+$0xD0] =	vst v0  }
0xe9: {  	v0 =	vld [tilespmem:s24+$0xFFFFFF50];
	v7 =	vmul.f32 $1.131370830e+01, v7;
	[tilespmem:s10+$0xE0] =	vst v1  }
0xea: {  	v1 =	vmul.f32 $1.131370830e+01, v5;
	v5 =	vld [tilespmem:s24+$0xFFFFFF60];
	[tilespmem:s10+$0xFFFFFF00] =	vst v4;
	s10 =	smov.u32 s24  }
0xeb: {  	v4 =	vmul.f32 $1.131370830e+01, v6;
	v6 =	vld [tilespmem:s24+$0xFFFFFF70];
	[tilespmem:s24+$0xF0] =	vst v7  }
0xec: {  	[tilespmem:s24+$0xFFFFFF10] =	vst v1;
	v1 =	vmul.f32 $1.131370830e+01, v2;
	v2 =	vld [tilespmem:s24+$0xFFFFFF80]  }
0xed: {  	[tilespmem:s24+$0xFFFFFF20] =	vst v4;
	v3 =	vmul.f32 $1.131370830e+01, v3;
	v4 =	vld [tilespmem:s24+$0xFFFFFF90]  }
0xee: {  	[tilespmem:s24+$0xFFFFFF30] =	vst v1;
	v0 =	vmul.f32 $1.131370830e+01, v0;
	v1 =	vld [tilespmem:s24+$0xFFFFFFA0]  }
0xef: {  	[tilespmem:s24+$0xFFFFFF40] =	vst v3;
	v3 =	vmul.f32 $1.131370830e+01, v5;
	v5 =	vld [tilespmem:s24+$0xFFFFFFB0]  }
0xf0: {  	[tilespmem:s24+$0xFFFFFF50] =	vst v0;
	v0 =	vmul.f32 $1.131370830e+01, v6;
	v6 =	vld [tilespmem:s24+$0xFFFFFFC0]  }
0xf1: {  	[tilespmem:s24+$0xFFFFFF60] =	vst v3;
	v2 =	vmul.f32 $1.131370830e+01, v2;
	v3 =	vld [tilespmem:s24+$0xFFFFFFD0]  }
0xf2: {  	[tilespmem:s24+$0xFFFFFF70] =	vst v0;
	v0 =	vmul.f32 $1.131370830e+01, v4;
	v4 =	vld [tilespmem:s24+$0xFFFFFFE0]  }
0xf3: {  	[tilespmem:s24+$0xFFFFFF80] =	vst v2;
	v1 =	vmul.f32 $1.131370830e+01, v1;
	v2 =	vld [tilespmem:s24+$0xFFFFFFF0]  }
0xf4: {  	[tilespmem:s24+$0xFFFFFF90] =	vst v0;
	v0 =	vmul.f32 $1.131370830e+01, v5;
	v5 =	vld [tilespmem:s24+$0x0]  }
0xf5: {  	[tilespmem:s24+$0xFFFFFFA0] =	vst v1;
	v1 =	vmul.f32 $1.131370830e+01, v6;
	v6 =	vld [tilespmem:s24+$0x10]  }
0xf6: {  	[tilespmem:s24+$0xFFFFFFB0] =	vst v0;
	v0 =	vmul.f32 $1.131370830e+01, v3;
	v3 =	vld [tilespmem:s24+$0x20]  }
0xf7: {  	[tilespmem:s24+$0xFFFFFFC0] =	vst v1;
	v1 =	vmul.f32 $1.131370830e+01, v4;
	v4 =	vld [tilespmem:s24+$0x30]  }
0xf8: {  	[tilespmem:s24+$0xFFFFFFD0] =	vst v0;
	v0 =	vmul.f32 $1.131370830e+01, v2;
	v2 =	vld [tilespmem:s24+$0x40]  }
0xf9: {  	[tilespmem:s24+$0xFFFFFFE0] =	vst v1;
	v1 =	vmul.f32 $1.131370830e+01, v5;
	v5 =	vld [tilespmem:s24+$0x50]  }
0xfa: {  	[tilespmem:s24+$0xFFFFFFF0] =	vst v0;
	v0 =	vmul.f32 $1.131370830e+01, v6;
	v6 =	vld [tilespmem:s24+$0x60]  }
0xfb: {  	[tilespmem:s24+$0x0] =	vst v1;
	v1 =	vmul.f32 $1.131370830e+01, v3;
	v3 =	vld [tilespmem:s24+$0x70]  }
0xfc: {  	[tilespmem:s24+$0x10] =	vst v0;
	v0 =	vmul.f32 $1.131370830e+01, v4;
	v4 =	vld [tilespmem:s24+$0x80]  }
0xfd: {  	[tilespmem:s24+$0x20] =	vst v1;
	v1 =	vmul.f32 $1.131370830e+01, v2;
	v7 =	vld [tilespmem:s24+$0x90]  }
0xfe: {  	[tilespmem:s24+$0x30] =	vst v0;
	v2 =	vmul.f32 $1.131370830e+01, v5;
	v8 =	vld [tilespmem:s24+$0xA0]  }
.Ltmp2:
0xff: {  	[tilespmem:s24+$0x40] =	vst v1;
	v5 =	vmul.f32 $1.131370830e+01, v6;
	v0 =	vld [tilespmem:s24+$0xB0];
	(pc) =	sbr.rel @p1 .LBB2_7-.Ltmp2, $4  }
0x100: {  	[tilespmem:s24+$0x50] =	vst v2;
	v3 =	vmul.f32 $1.131370830e+01, v3;
	v1 =	vld [tilespmem:s24+$0xC0]  }
0x101: {  	[tilespmem:s24+$0x60] =	vst v5;
	v6 =	vmul.f32 $1.131370830e+01, v4;
	v2 =	vld [tilespmem:s24+$0xD0]  }
0x102: {  	[tilespmem:s24+$0x70] =	vst v3;
	v5 =	vmul.f32 $1.131370830e+01, v7;
	v3 =	vld [tilespmem:s24+$0xE0]  }
0x103: {  	s24 =	sadd.s32 $0x200, s24;
	v4 =	vld [tilespmem:s10+$0xFFFFFF00];
	[tilespmem:s10+$0x80] =	vst v6;
	v6 =	vmul.f32 $1.131370830e+01, v8  }
0x104: {  	[tilespmem:s10+$0x90] =	vst v5;
	v0 =	vmul.f32 $1.131370830e+01, v0  }
0x105: {  	[tilespmem:s10+$0xA0] =	vst v6;
	v1 =	vmul.f32 $1.131370830e+01, v1  }
0x106: {  	[tilespmem:s10+$0xB0] =	vst v0;
	v0 =	vmul.f32 $1.131370830e+01, v2  }
0x107: {  	[tilespmem:s10+$0xC0] =	vst v1;
	v1 =	vmul.f32 $1.131370830e+01, v3  }
0x108: {  	s11 =	sadd.s32 s15, s8;
	v2 =	vmul.f32 $1.131370830e+01, v4;
	[tilespmem:s10+$0xD0] =	vst v0  }
0x109: {  	s11 =	sshll.u32 s11, $0x4;
	[tilespmem:s10+$0xE0] =	vst v1  }
0x10a: {  	s24 =	sadd.s32 s3, s11;
	[tilespmem:s10+$0xFFFFFF00] =	vst v2;
	s10 =	simm.s32 @!p0 $0x7  }
0x10b: {  	[hbm4b:s24+s4] =	stream.linear.scatter [tilespmem:s16], [sflag:$0x8], $0x4000, $0x38;
	[tilespmem:$0x15900] =	vst v63  }
0x10c: {  	_ =	swait.ge @!p0 [sflag:s10], $0x4000  }
0x10d: {  	s15 =	simm.s32 @!p0 $0x5900;
	[sflag:s10] =	ssyncset.done @!p0 $0x0  }
0x10e: {  	s11 =	simm.s32 @!p0 $0x80;
	[sflag:s10] =	ssyncadd.s32 @!p0 $0xFFFFC000;
	s10 =	sadd.s32 @!p0 $0x300, s6  }
0x10f: {  	[tilespmem:s15], [sflag:$0x2] =	stream.indirect.gather @!p0 [hbm4b:s2+s11], $0x80, s10, s11, $0xb8;
	[tilespmem:$0x15900] =	vst v63  }
0x110: {  	_ =	swait.ge [sflag:s22], $0x4000  }
0x111: {  	[sflag:s22] =	ssyncset.done $0x0  }
0x112: {  	s15 =	simm.s32 $0xDA00;
	[sflag:s22] =	ssyncadd.s32 $0xFFFFC000  }
0x113: {  	v0 =	vld [tilespmem:s15+$0xF0]  }
0x114: {  	v1 =	vld [tilespmem:s15+$0xFFFFFF10]  }
0x115: {  	v2 =	vld [tilespmem:s15+$0xFFFFFF20]  }
0x116: {  	v3 =	vld [tilespmem:s15+$0xFFFFFF30]  }
0x117: {  	v6 =	vld [tilespmem:s15+$0xFFFFFF60]  }
0x118: {  	v4 =	vld [tilespmem:s15+$0xFFFFFF40]  }
0x119: {  	v5 =	vld [tilespmem:s15+$0xFFFFFF50];
	v0 =	vmul.f32 $1.131370830e+01, v0  }
0x11a: {  	v8 =	vld [tilespmem:s15+$0xFFFFFF80];
	v1 =	vmul.f32 $1.131370830e+01, v1  }
0x11b: {  	v7 =	vld [tilespmem:s15+$0xFFFFFF70];
	v2 =	vmul.f32 $1.131370830e+01, v2;
	[tilespmem:s15+$0xF0] =	vst v0  }
0x11c: {  	v6 =	vmul.f32 $1.131370830e+01, v6;
	v0 =	vld [tilespmem:s15+$0xFFFFFF90];
	[tilespmem:s15+$0xFFFFFF10] =	vst v1  }
0x11d: {  	v1 =	vmul.f32 $1.131370830e+01, v3;
	v3 =	vld [tilespmem:s15+$0xFFFFFFA0];
	[tilespmem:s15+$0xFFFFFF20] =	vst v2;
	v2 =	vmul.f32 $1.131370830e+01, v4  }
0x11e: {  	[tilespmem:s15+$0xFFFFFF60] =	vst v6;
	v6 =	vld [tilespmem:s15+$0xFFFFFFF0]  }
0x11f: {  	v4 =	vld [tilespmem:s15+$0xFFFFFFB0];
	[tilespmem:s15+$0xFFFFFF40] =	vst v2;
	v2 =	vmul.f32 $1.131370830e+01, v8  }
0x120: {  	[tilespmem:s15+$0xFFFFFF30] =	vst v1;
	v1 =	vmul.f32 $1.131370830e+01, v5;
	v5 =	vld [tilespmem:s15+$0xFFFFFFC0]  }
0x121: {  	v8 =	vld [tilespmem:s15+$0xFFFFFFD0];
	[tilespmem:s15+$0xFFFFFF80] =	vst v2;
	v2 =	vmul.f32 $1.131370830e+01, v7  }
0x122: {  	[tilespmem:s15+$0xFFFFFF50] =	vst v1;
	v1 =	vld [tilespmem:s15+$0xFFFFFFE0];
	v0 =	vmul.f32 $1.131370830e+01, v0  }
0x123: {  	v7 =	vld [tilespmem:s15+$0x30];
	v6 =	vmul.f32 $1.131370830e+01, v6;
	[tilespmem:s15+$0xFFFFFF70] =	vst v2  }
0x124: {  	v2 =	vmul.f32 $1.131370830e+01, v3;
	v3 =	vld [tilespmem:s15+$0x0];
	[tilespmem:s15+$0xFFFFFF90] =	vst v0  }
0x125: {  	v0 =	vmul.f32 $1.131370830e+01, v4;
	v4 =	vld [tilespmem:s15+$0x10];
	[tilespmem:s15+$0xFFFFFFF0] =	vst v6  }
0x126: {  	[tilespmem:s15+$0xFFFFFFA0] =	vst v2;
	v2 =	vmul.f32 $1.131370830e+01, v5;
	v5 =	vld [tilespmem:s15+$0x20]  }
0x127: {  	v6 =	vld [tilespmem:s15+$0x80];
	[tilespmem:s15+$0xFFFFFFB0] =	vst v0;
	v0 =	vmul.f32 $1.131370830e+01, v8  }
0x128: {  	v1 =	vmul.f32 $1.131370830e+01, v1;
	[tilespmem:s15+$0xFFFFFFC0] =	vst v2;
	v2 =	vld [tilespmem:s15+$0x40]  }
0x129: {  	[tilespmem:s15+$0xFFFFFFD0] =	vst v0;
	v0 =	vmul.f32 $1.131370830e+01, v3  }
0x12a: {  	v3 =	vld [tilespmem:s15+$0x50];
	[tilespmem:s15+$0xFFFFFFE0] =	vst v1;
	v4 =	vmul.f32 $1.131370830e+01, v4  }
0x12b: {  	v1 =	vld [tilespmem:s15+$0x60];
	[tilespmem:s15+$0x0] =	vst v0;
	v0 =	vmul.f32 $1.131370830e+01, v5  }
0x12c: {  	v6 =	vmul.f32 $1.131370830e+01, v6;
	v5 =	vld [tilespmem:s15+$0x70];
	[tilespmem:s15+$0x10] =	vst v4  }
0x12d: {  	v4 =	vmul.f32 $1.131370830e+01, v7;
	v7 =	vld [tilespmem:s15+$0x90];
	[tilespmem:s15+$0x20] =	vst v0;
	v0 =	vmul.f32 $1.131370830e+01, v2  }
0x12e: {  	v8 =	vld [tilespmem:s15+$0xA0];
	[tilespmem:s15+$0x80] =	vst v6  }
0x12f: {  	v2 =	vmul.f32 $1.131370830e+01, v3;
	[tilespmem:s15+$0x40] =	vst v0;
	v0 =	vld [tilespmem:s15+$0xB0]  }
0x130: {  	[tilespmem:s15+$0x30] =	vst v4;
	v3 =	vmul.f32 $1.131370830e+01, v1;
	v1 =	vld [tilespmem:s15+$0xC0]  }
0x131: {  	[tilespmem:s15+$0x50] =	vst v2;
	v4 =	vmul.f32 $1.131370830e+01, v5;
	v2 =	vld [tilespmem:s15+$0xD0]  }
0x132: {  	[tilespmem:s15+$0x60] =	vst v3;
	v3 =	vld [tilespmem:s15+$0xE0];
	v5 =	vmul.f32 $1.131370830e+01, v7  }
0x133: {  	s10 =	simm.s32 $0x0;
	s11 =	simm.s32 $0xDC00;
	v6 =	vmul.f32 $1.131370830e+01, v8;
	[tilespmem:s15+$0x70] =	vst v4;
	v4 =	vld [tilespmem:s15+$0xFFFFFF00]  }
.LBB2_9:
0x134: {  	v7 =	vld [tilespmem:s11+$0xF0];
	s10 =	sadd.s32 $0x4, s10;
	[tilespmem:s15+$0x90] =	vst v5;
	v0 =	vmul.f32 $1.131370830e+01, v0  }
0x135: {  	v5 =	vld [tilespmem:s11+$0xFFFFFF10];
	p1 =	slt.u32 s10, $0x7C;
	[tilespmem:s15+$0xA0] =	vst v6;
	v1 =	vmul.f32 $1.131370830e+01, v1  }
0x136: {  	v6 =	vld [tilespmem:s11+$0xFFFFFF20];
	[tilespmem:s15+$0xB0] =	vst v0;
	v0 =	vmul.f32 $1.131370830e+01, v2  }
0x137: {  	v2 =	vld [tilespmem:s11+$0xFFFFFF30];
	[tilespmem:s15+$0xC0] =	vst v1;
	v1 =	vmul.f32 $1.131370830e+01, v3  }
0x138: {  	v3 =	vld [tilespmem:s11+$0xFFFFFF40];
	v4 =	vmul.f32 $1.131370830e+01, v4;
	[tilespmem:s15+$0xD0] =	vst v0  }
0x139: {  	v0 =	vld [tilespmem:s11+$0xFFFFFF50];
	v7 =	vmul.f32 $1.131370830e+01, v7;
	[tilespmem:s15+$0xE0] =	vst v1  }
0x13a: {  	v1 =	vmul.f32 $1.131370830e+01, v5;
	v5 =	vld [tilespmem:s11+$0xFFFFFF60];
	[tilespmem:s15+$0xFFFFFF00] =	vst v4;
	s15 =	smov.u32 s11  }
0x13b: {  	v4 =	vmul.f32 $1.131370830e+01, v6;
	v6 =	vld [tilespmem:s11+$0xFFFFFF70];
	[tilespmem:s11+$0xF0] =	vst v7  }
0x13c: {  	[tilespmem:s11+$0xFFFFFF10] =	vst v1;
	v1 =	vmul.f32 $1.131370830e+01, v2;
	v2 =	vld [tilespmem:s11+$0xFFFFFF80]  }
0x13d: {  	[tilespmem:s11+$0xFFFFFF20] =	vst v4;
	v3 =	vmul.f32 $1.131370830e+01, v3;
	v4 =	vld [tilespmem:s11+$0xFFFFFF90]  }
0x13e: {  	[tilespmem:s11+$0xFFFFFF30] =	vst v1;
	v0 =	vmul.f32 $1.131370830e+01, v0;
	v1 =	vld [tilespmem:s11+$0xFFFFFFA0]  }
0x13f: {  	[tilespmem:s11+$0xFFFFFF40] =	vst v3;
	v3 =	vmul.f32 $1.131370830e+01, v5;
	v5 =	vld [tilespmem:s11+$0xFFFFFFB0]  }
0x140: {  	[tilespmem:s11+$0xFFFFFF50] =	vst v0;
	v0 =	vmul.f32 $1.131370830e+01, v6;
	v6 =	vld [tilespmem:s11+$0xFFFFFFC0]  }
0x141: {  	[tilespmem:s11+$0xFFFFFF60] =	vst v3;
	v2 =	vmul.f32 $1.131370830e+01, v2;
	v3 =	vld [tilespmem:s11+$0xFFFFFFD0]  }
0x142: {  	[tilespmem:s11+$0xFFFFFF70] =	vst v0;
	v0 =	vmul.f32 $1.131370830e+01, v4;
	v4 =	vld [tilespmem:s11+$0xFFFFFFE0]  }
0x143: {  	[tilespmem:s11+$0xFFFFFF80] =	vst v2;
	v1 =	vmul.f32 $1.131370830e+01, v1;
	v2 =	vld [tilespmem:s11+$0xFFFFFFF0]  }
0x144: {  	[tilespmem:s11+$0xFFFFFF90] =	vst v0;
	v0 =	vmul.f32 $1.131370830e+01, v5;
	v5 =	vld [tilespmem:s11+$0x0]  }
0x145: {  	[tilespmem:s11+$0xFFFFFFA0] =	vst v1;
	v1 =	vmul.f32 $1.131370830e+01, v6;
	v6 =	vld [tilespmem:s11+$0x10]  }
0x146: {  	[tilespmem:s11+$0xFFFFFFB0] =	vst v0;
	v0 =	vmul.f32 $1.131370830e+01, v3;
	v3 =	vld [tilespmem:s11+$0x20]  }
0x147: {  	[tilespmem:s11+$0xFFFFFFC0] =	vst v1;
	v1 =	vmul.f32 $1.131370830e+01, v4;
	v4 =	vld [tilespmem:s11+$0x30]  }
0x148: {  	[tilespmem:s11+$0xFFFFFFD0] =	vst v0;
	v0 =	vmul.f32 $1.131370830e+01, v2;
	v2 =	vld [tilespmem:s11+$0x40]  }
0x149: {  	[tilespmem:s11+$0xFFFFFFE0] =	vst v1;
	v1 =	vmul.f32 $1.131370830e+01, v5;
	v5 =	vld [tilespmem:s11+$0x50]  }
0x14a: {  	[tilespmem:s11+$0xFFFFFFF0] =	vst v0;
	v0 =	vmul.f32 $1.131370830e+01, v6;
	v6 =	vld [tilespmem:s11+$0x60]  }
0x14b: {  	[tilespmem:s11+$0x0] =	vst v1;
	v1 =	vmul.f32 $1.131370830e+01, v3;
	v3 =	vld [tilespmem:s11+$0x70]  }
0x14c: {  	[tilespmem:s11+$0x10] =	vst v0;
	v0 =	vmul.f32 $1.131370830e+01, v4;
	v4 =	vld [tilespmem:s11+$0x80]  }
0x14d: {  	[tilespmem:s11+$0x20] =	vst v1;
	v1 =	vmul.f32 $1.131370830e+01, v2;
	v7 =	vld [tilespmem:s11+$0x90]  }
0x14e: {  	[tilespmem:s11+$0x30] =	vst v0;
	v2 =	vmul.f32 $1.131370830e+01, v5;
	v8 =	vld [tilespmem:s11+$0xA0]  }
.Ltmp3:
0x14f: {  	[tilespmem:s11+$0x40] =	vst v1;
	v5 =	vmul.f32 $1.131370830e+01, v6;
	v0 =	vld [tilespmem:s11+$0xB0];
	(pc) =	sbr.rel @p1 .LBB2_9-.Ltmp3, $4  }
0x150: {  	[tilespmem:s11+$0x50] =	vst v2;
	v3 =	vmul.f32 $1.131370830e+01, v3;
	v1 =	vld [tilespmem:s11+$0xC0]  }
0x151: {  	[tilespmem:s11+$0x60] =	vst v5;
	v6 =	vmul.f32 $1.131370830e+01, v4;
	v2 =	vld [tilespmem:s11+$0xD0]  }
0x152: {  	[tilespmem:s11+$0x70] =	vst v3;
	v5 =	vmul.f32 $1.131370830e+01, v7;
	v3 =	vld [tilespmem:s11+$0xE0]  }
0x153: {  	s11 =	sadd.s32 $0x200, s11;
	v4 =	vld [tilespmem:s15+$0xFFFFFF00];
	[tilespmem:s15+$0x80] =	vst v6;
	v6 =	vmul.f32 $1.131370830e+01, v8  }
0x154: {  	[tilespmem:s15+$0x90] =	vst v5;
	v0 =	vmul.f32 $1.131370830e+01, v0  }
0x155: {  	[tilespmem:s15+$0xA0] =	vst v6;
	v1 =	vmul.f32 $1.131370830e+01, v1  }
0x156: {  	[tilespmem:s15+$0xB0] =	vst v0;
	v0 =	vmul.f32 $1.131370830e+01, v2  }
0x157: {  	s1 =	sshll.u32 s1, $0xE;
	[tilespmem:s15+$0xC0] =	vst v1;
	v1 =	vmul.f32 $1.131370830e+01, v3  }
0x158: {  	s1 =	sadd.s32 s9, s1;
	v2 =	vmul.f32 $1.131370830e+01, v4;
	[tilespmem:s15+$0xD0] =	vst v0  }
0x159: {  	s1 =	sshrl.u32 s1, $0x3;
	[tilespmem:s15+$0xE0] =	vst v1  }
0x15a: {  	s1 =	sadd.s32 s3, s1;
	[tilespmem:s15+$0xFFFFFF00] =	vst v2  }
0x15b: {  	[hbm4b:s1+s4] =	stream.linear.scatter [tilespmem:s17], [sflag:$0x9], $0x4000, $0x38;
	[tilespmem:$0x15900] =	vst v63  }
0x15c: {  	s1 =	simm.s32 @!p0 $0x8  }
0x15d: {  	_ =	swait.ge @!p0 [sflag:s1], $0x4000  }
0x15e: {  	s10 =	simm.s32 @!p0 $0x9900;
	[sflag:s1] =	ssyncset.done @!p0 $0x0  }
0x15f: {  	[sflag:s1] =	ssyncadd.s32 @!p0 $0xFFFFC000;
	s1 =	sadd.s32 @!p0 $0x380, s6;
	s6 =	simm.s32 @!p0 $0x80  }
0x160: {  	[tilespmem:s10], [sflag:$0x3] =	stream.indirect.gather @!p0 [hbm4b:s2+s6], $0x80, s1, s6, $0xb8;
	[tilespmem:$0x15900] =	vst v63  }
0x161: {  	_ =	swait.ge [sflag:s23], $0x4000  }
0x162: {  	[sflag:s23] =	ssyncset.done $0x0  }
0x163: {  	s1 =	simm.s32 $0x11A00;
	[sflag:s23] =	ssyncadd.s32 $0xFFFFC000  }
0x164: {  	v0 =	vld [tilespmem:s1+$0xF0]  }
0x165: {  	v1 =	vld [tilespmem:s1+$0xFFFFFF10]  }
0x166: {  	v2 =	vld [tilespmem:s1+$0xFFFFFF20]  }
0x167: {  	v3 =	vld [tilespmem:s1+$0xFFFFFF30]  }
0x168: {  	v6 =	vld [tilespmem:s1+$0xFFFFFF60]  }
0x169: {  	v4 =	vld [tilespmem:s1+$0xFFFFFF40]  }
0x16a: {  	v5 =	vld [tilespmem:s1+$0xFFFFFF50];
	v0 =	vmul.f32 $1.131370830e+01, v0  }
0x16b: {  	v8 =	vld [tilespmem:s1+$0xFFFFFF80];
	v1 =	vmul.f32 $1.131370830e+01, v1  }
0x16c: {  	v7 =	vld [tilespmem:s1+$0xFFFFFF70];
	v2 =	vmul.f32 $1.131370830e+01, v2;
	[tilespmem:s1+$0xF0] =	vst v0  }
0x16d: {  	v6 =	vmul.f32 $1.131370830e+01, v6;
	v0 =	vld [tilespmem:s1+$0xFFFFFF90];
	[tilespmem:s1+$0xFFFFFF10] =	vst v1  }
0x16e: {  	v1 =	vmul.f32 $1.131370830e+01, v3;
	v3 =	vld [tilespmem:s1+$0xFFFFFFA0];
	[tilespmem:s1+$0xFFFFFF20] =	vst v2;
	v2 =	vmul.f32 $1.131370830e+01, v4  }
0x16f: {  	[tilespmem:s1+$0xFFFFFF60] =	vst v6;
	v6 =	vld [tilespmem:s1+$0xFFFFFFF0]  }
0x170: {  	v4 =	vld [tilespmem:s1+$0xFFFFFFB0];
	[tilespmem:s1+$0xFFFFFF40] =	vst v2;
	v2 =	vmul.f32 $1.131370830e+01, v8  }
0x171: {  	[tilespmem:s1+$0xFFFFFF30] =	vst v1;
	v1 =	vmul.f32 $1.131370830e+01, v5;
	v5 =	vld [tilespmem:s1+$0xFFFFFFC0]  }
0x172: {  	v8 =	vld [tilespmem:s1+$0xFFFFFFD0];
	[tilespmem:s1+$0xFFFFFF80] =	vst v2;
	v2 =	vmul.f32 $1.131370830e+01, v7  }
0x173: {  	[tilespmem:s1+$0xFFFFFF50] =	vst v1;
	v1 =	vld [tilespmem:s1+$0xFFFFFFE0];
	v0 =	vmul.f32 $1.131370830e+01, v0  }
0x174: {  	v7 =	vld [tilespmem:s1+$0x30];
	v6 =	vmul.f32 $1.131370830e+01, v6;
	[tilespmem:s1+$0xFFFFFF70] =	vst v2  }
0x175: {  	v2 =	vmul.f32 $1.131370830e+01, v3;
	v3 =	vld [tilespmem:s1+$0x0];
	[tilespmem:s1+$0xFFFFFF90] =	vst v0  }
0x176: {  	v0 =	vmul.f32 $1.131370830e+01, v4;
	v4 =	vld [tilespmem:s1+$0x10];
	[tilespmem:s1+$0xFFFFFFF0] =	vst v6  }
0x177: {  	[tilespmem:s1+$0xFFFFFFA0] =	vst v2;
	v2 =	vmul.f32 $1.131370830e+01, v5;
	v5 =	vld [tilespmem:s1+$0x20]  }
0x178: {  	v6 =	vld [tilespmem:s1+$0x80];
	[tilespmem:s1+$0xFFFFFFB0] =	vst v0;
	v0 =	vmul.f32 $1.131370830e+01, v8  }
0x179: {  	v1 =	vmul.f32 $1.131370830e+01, v1;
	[tilespmem:s1+$0xFFFFFFC0] =	vst v2;
	v2 =	vld [tilespmem:s1+$0x40]  }
0x17a: {  	[tilespmem:s1+$0xFFFFFFD0] =	vst v0;
	v0 =	vmul.f32 $1.131370830e+01, v3  }
0x17b: {  	v3 =	vld [tilespmem:s1+$0x50];
	[tilespmem:s1+$0xFFFFFFE0] =	vst v1;
	v4 =	vmul.f32 $1.131370830e+01, v4  }
0x17c: {  	v1 =	vld [tilespmem:s1+$0x60];
	[tilespmem:s1+$0x0] =	vst v0;
	v0 =	vmul.f32 $1.131370830e+01, v5  }
0x17d: {  	v6 =	vmul.f32 $1.131370830e+01, v6;
	v5 =	vld [tilespmem:s1+$0x70];
	[tilespmem:s1+$0x10] =	vst v4  }
0x17e: {  	v4 =	vmul.f32 $1.131370830e+01, v7;
	v7 =	vld [tilespmem:s1+$0x90];
	[tilespmem:s1+$0x20] =	vst v0;
	v0 =	vmul.f32 $1.131370830e+01, v2  }
0x17f: {  	v8 =	vld [tilespmem:s1+$0xA0];
	[tilespmem:s1+$0x80] =	vst v6  }
0x180: {  	v2 =	vmul.f32 $1.131370830e+01, v3;
	[tilespmem:s1+$0x40] =	vst v0;
	v0 =	vld [tilespmem:s1+$0xB0]  }
0x181: {  	[tilespmem:s1+$0x30] =	vst v4;
	v3 =	vmul.f32 $1.131370830e+01, v1;
	v1 =	vld [tilespmem:s1+$0xC0]  }
0x182: {  	[tilespmem:s1+$0x50] =	vst v2;
	v4 =	vmul.f32 $1.131370830e+01, v5;
	v2 =	vld [tilespmem:s1+$0xD0]  }
0x183: {  	[tilespmem:s1+$0x60] =	vst v3;
	v3 =	vld [tilespmem:s1+$0xE0];
	v5 =	vmul.f32 $1.131370830e+01, v7  }
0x184: {  	s6 =	simm.s32 $0x0;
	s10 =	simm.s32 $0x11C00;
	v6 =	vmul.f32 $1.131370830e+01, v8;
	[tilespmem:s1+$0x70] =	vst v4;
	v4 =	vld [tilespmem:s1+$0xFFFFFF00]  }
.LBB2_11:
0x185: {  	v7 =	vld [tilespmem:s10+$0xF0];
	s6 =	sadd.s32 $0x4, s6;
	[tilespmem:s1+$0x90] =	vst v5;
	v0 =	vmul.f32 $1.131370830e+01, v0  }
0x186: {  	v5 =	vld [tilespmem:s10+$0xFFFFFF10];
	p0 =	slt.u32 s6, $0x7C;
	[tilespmem:s1+$0xA0] =	vst v6;
	v1 =	vmul.f32 $1.131370830e+01, v1  }
0x187: {  	v6 =	vld [tilespmem:s10+$0xFFFFFF20];
	[tilespmem:s1+$0xB0] =	vst v0;
	v0 =	vmul.f32 $1.131370830e+01, v2  }
0x188: {  	v2 =	vld [tilespmem:s10+$0xFFFFFF30];
	[tilespmem:s1+$0xC0] =	vst v1;
	v1 =	vmul.f32 $1.131370830e+01, v3  }
0x189: {  	v3 =	vld [tilespmem:s10+$0xFFFFFF40];
	v4 =	vmul.f32 $1.131370830e+01, v4;
	[tilespmem:s1+$0xD0] =	vst v0  }
0x18a: {  	v0 =	vld [tilespmem:s10+$0xFFFFFF50];
	v7 =	vmul.f32 $1.131370830e+01, v7;
	[tilespmem:s1+$0xE0] =	vst v1  }
0x18b: {  	v1 =	vmul.f32 $1.131370830e+01, v5;
	v5 =	vld [tilespmem:s10+$0xFFFFFF60];
	[tilespmem:s1+$0xFFFFFF00] =	vst v4;
	s1 =	smov.u32 s10  }
0x18c: {  	v4 =	vmul.f32 $1.131370830e+01, v6;
	v6 =	vld [tilespmem:s10+$0xFFFFFF70];
	[tilespmem:s10+$0xF0] =	vst v7  }
0x18d: {  	[tilespmem:s10+$0xFFFFFF10] =	vst v1;
	v1 =	vmul.f32 $1.131370830e+01, v2;
	v2 =	vld [tilespmem:s10+$0xFFFFFF80]  }
0x18e: {  	[tilespmem:s10+$0xFFFFFF20] =	vst v4;
	v3 =	vmul.f32 $1.131370830e+01, v3;
	v4 =	vld [tilespmem:s10+$0xFFFFFF90]  }
0x18f: {  	[tilespmem:s10+$0xFFFFFF30] =	vst v1;
	v0 =	vmul.f32 $1.131370830e+01, v0;
	v1 =	vld [tilespmem:s10+$0xFFFFFFA0]  }
0x190: {  	[tilespmem:s10+$0xFFFFFF40] =	vst v3;
	v3 =	vmul.f32 $1.131370830e+01, v5;
	v5 =	vld [tilespmem:s10+$0xFFFFFFB0]  }
0x191: {  	[tilespmem:s10+$0xFFFFFF50] =	vst v0;
	v0 =	vmul.f32 $1.131370830e+01, v6;
	v6 =	vld [tilespmem:s10+$0xFFFFFFC0]  }
0x192: {  	[tilespmem:s10+$0xFFFFFF60] =	vst v3;
	v2 =	vmul.f32 $1.131370830e+01, v2;
	v3 =	vld [tilespmem:s10+$0xFFFFFFD0]  }
0x193: {  	[tilespmem:s10+$0xFFFFFF70] =	vst v0;
	v0 =	vmul.f32 $1.131370830e+01, v4;
	v4 =	vld [tilespmem:s10+$0xFFFFFFE0]  }
0x194: {  	[tilespmem:s10+$0xFFFFFF80] =	vst v2;
	v1 =	vmul.f32 $1.131370830e+01, v1;
	v2 =	vld [tilespmem:s10+$0xFFFFFFF0]  }
0x195: {  	[tilespmem:s10+$0xFFFFFF90] =	vst v0;
	v0 =	vmul.f32 $1.131370830e+01, v5;
	v5 =	vld [tilespmem:s10+$0x0]  }
0x196: {  	[tilespmem:s10+$0xFFFFFFA0] =	vst v1;
	v1 =	vmul.f32 $1.131370830e+01, v6;
	v6 =	vld [tilespmem:s10+$0x10]  }
0x197: {  	[tilespmem:s10+$0xFFFFFFB0] =	vst v0;
	v0 =	vmul.f32 $1.131370830e+01, v3;
	v3 =	vld [tilespmem:s10+$0x20]  }
0x198: {  	[tilespmem:s10+$0xFFFFFFC0] =	vst v1;
	v1 =	vmul.f32 $1.131370830e+01, v4;
	v4 =	vld [tilespmem:s10+$0x30]  }
0x199: {  	[tilespmem:s10+$0xFFFFFFD0] =	vst v0;
	v0 =	vmul.f32 $1.131370830e+01, v2;
	v2 =	vld [tilespmem:s10+$0x40]  }
0x19a: {  	[tilespmem:s10+$0xFFFFFFE0] =	vst v1;
	v1 =	vmul.f32 $1.131370830e+01, v5;
	v5 =	vld [tilespmem:s10+$0x50]  }
0x19b: {  	[tilespmem:s10+$0xFFFFFFF0] =	vst v0;
	v0 =	vmul.f32 $1.131370830e+01, v6;
	v6 =	vld [tilespmem:s10+$0x60]  }
0x19c: {  	[tilespmem:s10+$0x0] =	vst v1;
	v1 =	vmul.f32 $1.131370830e+01, v3;
	v3 =	vld [tilespmem:s10+$0x70]  }
0x19d: {  	[tilespmem:s10+$0x10] =	vst v0;
	v0 =	vmul.f32 $1.131370830e+01, v4;
	v4 =	vld [tilespmem:s10+$0x80]  }
0x19e: {  	[tilespmem:s10+$0x20] =	vst v1;
	v1 =	vmul.f32 $1.131370830e+01, v2;
	v7 =	vld [tilespmem:s10+$0x90]  }
0x19f: {  	[tilespmem:s10+$0x30] =	vst v0;
	v2 =	vmul.f32 $1.131370830e+01, v5;
	v8 =	vld [tilespmem:s10+$0xA0]  }
.Ltmp4:
0x1a0: {  	[tilespmem:s10+$0x40] =	vst v1;
	v5 =	vmul.f32 $1.131370830e+01, v6;
	v0 =	vld [tilespmem:s10+$0xB0];
	(pc) =	sbr.rel @p0 .LBB2_11-.Ltmp4, $4  }
0x1a1: {  	[tilespmem:s10+$0x50] =	vst v2;
	v3 =	vmul.f32 $1.131370830e+01, v3;
	v1 =	vld [tilespmem:s10+$0xC0]  }
0x1a2: {  	[tilespmem:s10+$0x60] =	vst v5;
	v6 =	vmul.f32 $1.131370830e+01, v4;
	v2 =	vld [tilespmem:s10+$0xD0]  }
0x1a3: {  	[tilespmem:s10+$0x70] =	vst v3;
	v5 =	vmul.f32 $1.131370830e+01, v7;
	v3 =	vld [tilespmem:s10+$0xE0]  }
0x1a4: {  	s10 =	sadd.s32 $0x200, s10;
	v4 =	vld [tilespmem:s1+$0xFFFFFF00];
	[tilespmem:s1+$0x80] =	vst v6;
	v6 =	vmul.f32 $1.131370830e+01, v8  }
0x1a5: {  	[tilespmem:s1+$0x90] =	vst v5;
	v0 =	vmul.f32 $1.131370830e+01, v0  }
0x1a6: {  	s31 =	sadd.s32 $0x1, s31;
	[tilespmem:s1+$0xA0] =	vst v6;
	v1 =	vmul.f32 $1.131370830e+01, v1  }
0x1a7: {  	p0 =	sne.s32 s31, $0xA;
	[tilespmem:s1+$0xB0] =	vst v0;
	v61 =	vmul.f32 $1.131370830e+01, v2  }
.Ltmp5:
0x1a8: {  	s0 =	sshll.u32 s0, $0xE;
	[tilespmem:s1+$0xC0] =	vst v1;
	v62 =	vmul.f32 $1.131370830e+01, v3;
	(pc) =	sbr.rel @p0 .LBB2_2-.Ltmp5, $4  }
0x1a9: {  	s0 =	sadd.s32 s9, s0;
	v63 =	vmul.f32 $1.131370830e+01, v4;
	[tilespmem:s1+$0xD0] =	vst v61  }
0x1aa: {  	s0 =	sshrl.u32 s0, $0x3;
	[tilespmem:s1+$0xE0] =	vst v62  }
0x1ab: {  	s0 =	sadd.s32 s3, s0;
	[tilespmem:s1+$0xFFFFFF00] =	vst v63  }
0x1ac: {  	[hbm4b:s0+s4] =	stream.linear.scatter [tilespmem:s19], [sflag:$0xA], $0x4000, $0x38;
	[tilespmem:$0x15900] =	vst v63  }
0x1ad: {  	s0 =	simm.s32 $0x6  }
0x1ae: {  	_ =	swait.ge [sflag:s0], $0x4000  }
0x1af: {  	[sflag:s0] =	ssyncset.done $0x0  }
0x1b0: {  	[sflag:s0] =	ssyncadd.s32 $0xFFFFC000  }
0x1b1: {  	_ =	swait.ge [sflag:s25], $0x4000  }
0x1b2: {  	[sflag:s25] =	ssyncset.done $0x0  }
0x1b3: {  	[sflag:s25] =	ssyncadd.s32 $0xFFFFC000  }
0x1b4: {  	_ =	swait.ge [sflag:s26], $0x4000  }
0x1b5: {  	[sflag:s26] =	ssyncset.done $0x0  }
0x1b6: {  	[sflag:s26] =	ssyncadd.s32 $0xFFFFC000  }
0x1b7: {  	_ =	swait.ge [sflag:s28], $0x4000  }
0x1b8: {  	[sflag:s28] =	ssyncset.done $0x0  }
0x1b9: {  	[sflag:s28] =	ssyncadd.s32 $0xFFFFC000  }
0x1ba: {  	_ =	swait.ge [sflag:s29], $0x4000  }
0x1bb: {  	s30 =	sadd.s32 $0x1, s30;
	s31 =	rddreg [dreg:$0x5]  }
0x1bc: {  	p0 =	sne.s32 s30, s31  }
.Ltmp6:
0x1bd: {  	_ = 	snop;
	(pc) =	sbr.rel @p0 .LBB2_1-.Ltmp6, $3  }
0x1be: {  	_ =	sdelay $0x1  }
0x1bf: {  	[sflag:s29] =	ssyncset.done $0x0  }
0x1c0: {  	[sflag:s29] =	ssyncadd.s32 $0xFFFFC000  }
0x1c1: {  	_ =	sfence.sel $0x180000  }
0x1c2: {  	[bflag:$0x0] =	sbarrier.arrive $0xFFFF  }
0x1c3: {  	_ =	strace $0x90000047  }
0x1c4: {  	s0 =	stileid.u32;
	[bflag:$0x2] =	sbarrier.arrive $0xFFFF  }
0x1c5: {  	p0 =	sne.s32 s0, $0x0;
	s0 =	rddreg [dreg:$0x3]  }
0x1c6: {  	s0 =	sadd.s32 @!p0 $0x100000, s0  }
0x1c7: {  	[sflag:s0] =	ssyncadd.tile.s32 @!p0 $0x1;
	_ =	shalt  }
.Lfunc_end2:
_tile_overlayer_lowered:
.L_overlay_start_2:
0x1c8: {  	(tag) =	ssettag $0x2  }
0x1c9: {  	s0 =	rddreg [dreg:$0x0];
	s2 =	stileid.u32  }
0x1ca: {  	s1 =	rddreg [dreg:$0x1];
	p0 =	sne.s32 s2, $0x0  }
0x1cb: {  	s3 =	rddreg [dreg:$0x2];
	[bflag:$0x3] =	sbarrier.arrive $0xFFFF;
	s2 =	simm.s32 @!p0 $0x1C0B  }
0x1cc: {  	[timem:s3], [sflag:s2] =	dma.local @!p0 [hbm:s0], s1  }
0x1cd: {  	s0 =	simm.s32 @!p0 $0xB  }
0x1ce: {  	_ =	swait.ge @!p0 [sflag:s0], s1  }
0x1cf: {  	s1 =	ssub.s32 @!p0 $0x0, s1;
	[sflag:s0] =	ssyncset.done @!p0 $0x0  }
0x1d0: {  	[sflag:s0] =	ssyncadd.s32 @!p0 s1  }
0x1d1: {  	[bflag:$0x3] =	sbarrier.arrive $0xFFFF  }
0x1d2: {  	_ =	shalt  }

</sc_bundles>
